<compile_context>
chip_gen: v7x
topology: tpu7x:2x2x1
jax: 0.10.2.dev20260603
libtpu: 0.0.44.dev20260713+nightly
codegen_flags: <defaults>
</compile_context>

<pallas_src>
import functools

import jax
import jax.numpy as jnp
from jax import lax
from jax.experimental import pallas as pl
from jax.experimental.pallas import tpu as pltpu
from jax.experimental.pallas import tpu_sc as plsc

_B, _S = 4, 4096
_L = 16
_NW = 16
_WPR = _NW // _B
_C = _S // _WPR
_NI = _C // _L

_GATHER_DNUMS = lax.GatherDimensionNumbers(
    offset_dims=(), collapsed_slice_dims=(0,), start_index_map=(0,)
)


def _shuffle(x, idx):
    return lax.gather(
        x, idx[:, None], dimension_numbers=_GATHER_DNUMS, slice_sizes=(1,),
        mode=lax.GatherScatterMode.PROMISE_IN_BOUNDS,
    )


def _combine(v1, i1, v2, i2):
    take = (v2 > v1) | ((v2 == v1) & (i2 < i1))
    return jnp.where(take, v2, v1), jnp.where(take, i2, i1)


_mesh = plsc.VectorSubcoreMesh(
    core_axis_name="c", subcore_axis_name="s", num_cores=1, num_subcores=_NW
)


@functools.partial(
    pl.kernel,
    out_type=(
        jax.ShapeDtypeStruct((_B, _S), jnp.float32),
        jax.ShapeDtypeStruct((_B, _S), jnp.int32),
    ),
    mesh=_mesh,
    scratch_types=[
        pltpu.VMEM((_C,), jnp.float32),
        pltpu.VMEM((_C,), jnp.float32),
        pltpu.VMEM((_C,), jnp.float32),
        pltpu.VMEM((_C,), jnp.int32),
        pltpu.VMEM((_L,), jnp.float32),
        pltpu.VMEM((_L,), jnp.int32),
        pltpu.VMEM((_WPR * _L,), jnp.float32),
        pltpu.VMEM((_WPR * _L,), jnp.int32),
        pltpu.VMEM((_L,), jnp.int32),
        pltpu.VMEM_SHARED((_NW * _L,), jnp.float32),
        pltpu.VMEM_SHARED((_NW * _L,), jnp.int32),
        pltpu.SemaphoreType.DMA,
        pltpu.SemaphoreType.DMA,
    ],
)
def _sc_kernel(logits_hbm, mask_hbm, masked_hbm, markers_hbm,
               lg_v, mk_v, out_v, mark_v, cmax_v, cidx_v,
               rmax_v, ridx_v, ixs_v, sh_max, sh_idx, sem_a, sem_b):
    wid = lax.axis_index("s")
    row = wid // _WPR
    col0 = (wid % _WPR) * _C

    ca = pltpu.async_copy(logits_hbm.at[row, pl.ds(col0, _C)], lg_v, sem_a)
    cb = pltpu.async_copy(mask_hbm.at[row, pl.ds(col0, _C)], mk_v, sem_b)
    ca.wait()
    cb.wait()

    lanes = lax.iota(jnp.int32, _L)
    zero_i = jnp.zeros((_L,), jnp.int32)
    one_i = jnp.ones((_L,), jnp.int32)

    def body(i, carry):
        vmax0, ib0, vmax1, ib1 = carry
        lv0 = lg_v[pl.ds((2 * i) * _L, _L)]
        mv0 = mk_v[pl.ds((2 * i) * _L, _L)]
        m0 = lv0 * (1.0 - mv0) - 1e30 * mv0
        out_v[pl.ds((2 * i) * _L, _L)] = m0
        lv1 = lg_v[pl.ds((2 * i + 1) * _L, _L)]
        mv1 = mk_v[pl.ds((2 * i + 1) * _L, _L)]
        m1 = lv1 * (1.0 - mv1) - 1e30 * mv1
        out_v[pl.ds((2 * i + 1) * _L, _L)] = m1
        upd0 = m0 > vmax0
        vmax0 = jnp.where(upd0, m0, vmax0)
        ib0 = jnp.where(upd0, jnp.broadcast_to(i, (_L,)), ib0)
        upd1 = m1 > vmax1
        vmax1 = jnp.where(upd1, m1, vmax1)
        ib1 = jnp.where(upd1, jnp.broadcast_to(i, (_L,)), ib1)
        return vmax0, ib0, vmax1, ib1

    ninf = jnp.full((_L,), -jnp.inf, jnp.float32)
    vmax0, ib0, vmax1, ib1 = lax.fori_loop(
        0, _NI // 2, body, (ninf, zero_i, ninf, zero_i), unroll=4,
    )

    pltpu.async_copy(out_v, masked_hbm.at[row, pl.ds(col0, _C)], sem_a)

    c0 = jnp.broadcast_to(col0, (_L,)) + lanes
    v, ix = _combine(vmax0, c0 + (2 * ib0) * _L,
                     vmax1, c0 + (2 * ib1 + 1) * _L)

    cmax_v[...] = v
    cidx_v[...] = ix
    pltpu.sync_copy(cmax_v, sh_max.at[pl.ds(wid * _L, _L)])
    pltpu.sync_copy(cidx_v, sh_idx.at[pl.ds(wid * _L, _L)])
    plsc.subcore_barrier()

    pltpu.sync_copy(sh_max.at[pl.ds(row * _WPR * _L, _WPR * _L)], rmax_v)
    pltpu.sync_copy(sh_idx.at[pl.ds(row * _WPR * _L, _WPR * _L)], ridx_v)
    v, ix = rmax_v[pl.ds(0, _L)], ridx_v[pl.ds(0, _L)]
    for k in range(1, _WPR):
        v, ix = _combine(v, ix, rmax_v[pl.ds(k * _L, _L)], ridx_v[pl.ds(k * _L, _L)])

    for shift in (8, 4, 2, 1):
        partner = jnp.bitwise_xor(lanes, shift)
        v, ix = _combine(v, ix, _shuffle(v, partner), _shuffle(ix, partner))

    ixs_v[...] = ix

    def mark_body(i, _):
        flat_i = jnp.broadcast_to(col0 + i * _L, (_L,)) + lanes
        mark_v[pl.ds(i * _L, _L)] = jnp.where(flat_i == ixs_v[...], one_i, zero_i)
        return 0

    lax.fori_loop(0, _NI, mark_body, 0, unroll=8)

    pltpu.async_copy(mark_v, markers_hbm.at[row, pl.ds(col0, _C)], sem_b)
    pltpu.make_async_copy(out_v, masked_hbm.at[row, pl.ds(col0, _C)], sem_a).wait()
    pltpu.make_async_copy(mark_v, markers_hbm.at[row, pl.ds(col0, _C)], sem_b).wait()


def kernel(input_ids, logits, logits_mask):
    masked, markers = _sc_kernel(logits, logits_mask)
    return masked, markers.astype(input_ids.dtype)

# --- scband reference (transcript-rebuilt; emitter-appended) ---
"""Pipeline reference for scband-sense-extractor-45406394253563 (READ-ONLY COPY).

The authoritative reference and input builder live on the scoring server;
editing this copy changes nothing except your own understanding.
"""

import jax, jax.numpy as jnp
import numpy as np


def setup_inputs(seed: int = 0) -> dict:
    key = jax.random.key(seed)
    k1, k2, k3 = jax.random.split(key, 3)
    B, S = 4, 4096
    input_ids = jax.random.randint(k1, (B, S), 0, 30000)
    logits = jax.random.normal(k2, (B, S), dtype=jnp.float32)
    logits_mask = jax.random.randint(k3, (B, S), 0, 2).astype(jnp.float32)
    return {"input_ids": input_ids, "logits": logits, "logits_mask": logits_mask}


def reference(input_ids, logits, logits_mask):
    # mask_logits: float32 branch -> logits * (1 - mask) - 1e30 * mask
    masked_logits = logits * (1.0 - logits_mask) - 1e30 * logits_mask
    # compute_markers: argmax over last dim, scatter 1 into zeros_like(input_ids)
    markers_positions = jnp.argmax(masked_logits, axis=-1)
    markers = jnp.zeros_like(input_ids)
    markers = markers.at[jnp.arange(input_ids.shape[0]), markers_positions].set(1)
    return masked_logits, markers

if __name__ == "__main__":
    import jax
    _d = setup_inputs()
    print(jax.jit(kernel)(*tuple(_d.values())))

</pallas_src>

<mosaic_0001>
#map = affine_map<(d0, d1) -> (0, 0)>
module attributes {stable_mosaic.version = 14 : i64} {
  func.func @_sc_kernel(%arg0: i32, %arg1: i32, %arg2: memref<4x4096xf32, #tpu.memory_space<hbm>>, %arg3: memref<4x4096xf32, #tpu.memory_space<hbm>>, %arg4: memref<4x4096xf32, #tpu.memory_space<hbm>>, %arg5: memref<4x4096xi32, #tpu.memory_space<hbm>>, %arg6: memref<1024xf32, #tpu.memory_space<vmem>>, %arg7: memref<1024xf32, #tpu.memory_space<vmem>>, %arg8: memref<1024xf32, #tpu.memory_space<vmem>>, %arg9: memref<1024xi32, #tpu.memory_space<vmem>>, %arg10: memref<16xf32, #tpu.memory_space<vmem>>, %arg11: memref<16xi32, #tpu.memory_space<vmem>>, %arg12: memref<64xf32, #tpu.memory_space<vmem>>, %arg13: memref<64xi32, #tpu.memory_space<vmem>>, %arg14: memref<16xi32, #tpu.memory_space<vmem>>, %arg15: memref<256xf32, #tpu.memory_space<vmem_shared>>, %arg16: memref<256xi32, #tpu.memory_space<vmem_shared>>, %arg17: memref<!tpu.dma_semaphore, #tpu.memory_space<semaphore_mem>>, %arg18: memref<!tpu.dma_semaphore, #tpu.memory_space<semaphore_mem>>) attributes {dimension_semantics = [#tpu.dimension_semantics<core_parallel>, #tpu.dimension_semantics<subcore_parallel>], iteration_bounds = array<i64: 1, 16>, scalar_prefetch = 0 : i64, scratch_operands = 13 : i64, tpu.core_type = #tpu.core_type<sc_vector_subcore>, window_params = [{transform_indices = #map}, {transform_indices = #map}, {transform_indices = #map}, {transform_indices = #map}]} {
    %jit3A = arith.constant 4 : i32
    %div3A = arith.divsi %arg1, %jit3A : i32
    %sign3A = arith.constant 0 : i32
    %sign3A_0 = arith.cmpi sgt, %arg1, %sign3A : i32
    %sign3A_1 = arith.extui %sign3A_0 : i1 to i32
    %sign3A_2 = arith.constant 0 : i32
    %sign3A_3 = arith.cmpi slt, %arg1, %sign3A_2 : i32
    %sign3A_4 = arith.extui %sign3A_3 : i1 to i32
    %sign3A_5 = arith.subi %sign3A_1, %sign3A_4 : i32
    %sign3A_6 = arith.constant 0 : i32
    %sign3A_7 = arith.cmpi sgt, %jit3A, %sign3A_6 : i32
    %sign3A_8 = arith.extui %sign3A_7 : i1 to i32
    %sign3A_9 = arith.constant 0 : i32
    %sign3A_10 = arith.cmpi slt, %jit3A, %sign3A_9 : i32
    %sign3A_11 = arith.extui %sign3A_10 : i1 to i32
    %sign3A_12 = arith.subi %sign3A_8, %sign3A_11 : i32
    %ne3A = arith.cmpi ne, %sign3A_5, %sign3A_12 : i32
    %rem3A = arith.remsi %arg1, %jit3A : i32
    %ne3A_13 = arith.constant 0 : i32
    %ne3A_14 = arith.cmpi ne, %rem3A, %ne3A_13 : i32
    %and3A = arith.andi %ne3A, %ne3A_14 : i1
    %sub3A = arith.constant 1 : i32
    %sub3A_15 = arith.subi %div3A, %sub3A : i32
    %select_n3A = arith.select %and3A, %sub3A_15, %div3A : i32
    %jit3A_16 = arith.constant 4 : i32
    %eq3A = arith.constant 0 : i32
    %eq3A_17 = arith.cmpi eq, %jit3A_16, %eq3A : i32
    %jit3A_18 = arith.constant 1 : i32
    %select_n3A_19 = arith.select %eq3A_17, %jit3A_18, %jit3A_16 : i32
    %rem3A_20 = arith.remsi %arg1, %select_n3A_19 : i32
    %ne3A_21 = arith.constant 0 : i32
    %ne3A_22 = arith.cmpi ne, %rem3A_20, %ne3A_21 : i32
    %lt3A = arith.constant 0 : i32
    %lt3A_23 = arith.cmpi slt, %rem3A_20, %lt3A : i32
    %lt3A_24 = arith.constant 0 : i32
    %lt3A_25 = arith.cmpi slt, %select_n3A_19, %lt3A_24 : i32
    %ne3A_26 = arith.xori %lt3A_23, %lt3A_25 : i1
    %and3A_27 = arith.andi %ne3A_26, %ne3A_22 : i1
    %add3A = arith.addi %rem3A_20, %select_n3A_19 : i32
    %select_n3A_28 = arith.select %and3A_27, %add3A, %rem3A_20 : i32
    %mul3A = arith.constant 1024 : i32
    %mul3A_29 = arith.muli %select_n3A_28, %mul3A : i32
    %dma_start3A = tpu.memref_slice %arg2[%select_n3A, %mul3A_29] : memref<4x4096xf32, #tpu.memory_space<hbm>> -> memref<1x1024xf32, #tpu.memory_space<hbm>>
    %dma_start3A_30 = tpu.memref_squeeze %dma_start3A : memref<1x1024xf32, #tpu.memory_space<hbm>> -> memref<1024xf32, #tpu.memory_space<hbm>>
    %dma_start3A_31 = tpu.memref_slice %arg2[%select_n3A, %mul3A_29] : memref<4x4096xf32, #tpu.memory_space<hbm>> -> memref<1x1024xf32, #tpu.memory_space<hbm>>
    %dma_start3A_32 = tpu.memref_squeeze %dma_start3A_31 : memref<1x1024xf32, #tpu.memory_space<hbm>> -> memref<1024xf32, #tpu.memory_space<hbm>>
    tpu.enqueue_dma source(%dma_start3A_32 : memref<1024xf32, #tpu.memory_space<hbm>>) target(%arg6 : memref<1024xf32, #tpu.memory_space<vmem>>) target_semaphore(%arg17 : memref<!tpu.dma_semaphore, #tpu.memory_space<semaphore_mem>>)
    %dma_start3A_33 = tpu.memref_slice %arg3[%select_n3A, %mul3A_29] : memref<4x4096xf32, #tpu.memory_space<hbm>> -> memref<1x1024xf32, #tpu.memory_space<hbm>>
    %dma_start3A_34 = tpu.memref_squeeze %dma_start3A_33 : memref<1x1024xf32, #tpu.memory_space<hbm>> -> memref<1024xf32, #tpu.memory_space<hbm>>
    %dma_start3A_35 = tpu.memref_slice %arg3[%select_n3A, %mul3A_29] : memref<4x4096xf32, #tpu.memory_space<hbm>> -> memref<1x1024xf32, #tpu.memory_space<hbm>>
    %dma_start3A_36 = tpu.memref_squeeze %dma_start3A_35 : memref<1x1024xf32, #tpu.memory_space<hbm>> -> memref<1024xf32, #tpu.memory_space<hbm>>
    tpu.enqueue_dma source(%dma_start3A_36 : memref<1024xf32, #tpu.memory_space<hbm>>) target(%arg7 : memref<1024xf32, #tpu.memory_space<vmem>>) target_semaphore(%arg18 : memref<!tpu.dma_semaphore, #tpu.memory_space<semaphore_mem>>)
    %dma_wait3A = tpu.memref_slice %arg2[%select_n3A, %mul3A_29] : memref<4x4096xf32, #tpu.memory_space<hbm>> -> memref<1x1024xf32, #tpu.memory_space<hbm>>
    %dma_wait3A_37 = tpu.memref_squeeze %dma_wait3A : memref<1x1024xf32, #tpu.memory_space<hbm>> -> memref<1024xf32, #tpu.memory_space<hbm>>
    %dma_wait3A_38 = tpu.memref_slice %arg2[%select_n3A, %mul3A_29] : memref<4x4096xf32, #tpu.memory_space<hbm>> -> memref<1x1024xf32, #tpu.memory_space<hbm>>
    %dma_wait3A_39 = tpu.memref_squeeze %dma_wait3A_38 : memref<1x1024xf32, #tpu.memory_space<hbm>> -> memref<1024xf32, #tpu.memory_space<hbm>>
    tpu.wait_dma2 semaphore(%arg17 : memref<!tpu.dma_semaphore, #tpu.memory_space<semaphore_mem>>) src(%dma_wait3A_39 : memref<1024xf32, #tpu.memory_space<hbm>>) dst(%arg6 : memref<1024xf32, #tpu.memory_space<vmem>>)
    %dma_wait3A_40 = tpu.memref_slice %arg3[%select_n3A, %mul3A_29] : memref<4x4096xf32, #tpu.memory_space<hbm>> -> memref<1x1024xf32, #tpu.memory_space<hbm>>
    %dma_wait3A_41 = tpu.memref_squeeze %dma_wait3A_40 : memref<1x1024xf32, #tpu.memory_space<hbm>> -> memref<1024xf32, #tpu.memory_space<hbm>>
    %dma_wait3A_42 = tpu.memref_slice %arg3[%select_n3A, %mul3A_29] : memref<4x4096xf32, #tpu.memory_space<hbm>> -> memref<1x1024xf32, #tpu.memory_space<hbm>>
    %dma_wait3A_43 = tpu.memref_squeeze %dma_wait3A_42 : memref<1x1024xf32, #tpu.memory_space<hbm>> -> memref<1024xf32, #tpu.memory_space<hbm>>
    tpu.wait_dma2 semaphore(%arg18 : memref<!tpu.dma_semaphore, #tpu.memory_space<semaphore_mem>>) src(%dma_wait3A_43 : memref<1024xf32, #tpu.memory_space<hbm>>) dst(%arg7 : memref<1024xf32, #tpu.memory_space<vmem>>)
    %iota3A = tpu.iota {dimensions = array<i32: 0>} : vector<16xi32>
    %broadcast_in_dim3A = arith.constant 0 : i32
    %broadcast_in_dim3A_44 = vector.broadcast %broadcast_in_dim3A : i32 to vector<16xi32>
    %broadcast_in_dim3A_45 = arith.constant 1 : i32
    %broadcast_in_dim3A_46 = vector.broadcast %broadcast_in_dim3A_45 : i32 to vector<16xi32>
    %broadcast_in_dim3A_47 = arith.constant 0xFF800000 : f32
    %broadcast_in_dim3A_48 = vector.broadcast %broadcast_in_dim3A_47 : f32 to vector<16xf32>
    %scan3A = arith.constant 0 : i32
    %scan3A_49 = arith.constant 32 : i32
    %scan3A_50 = arith.addi %scan3A, %scan3A_49 : i32
    %scan3A_51 = arith.constant 4 : i32
    %scan3A_52:4 = scf.for %scan3A_230 = %scan3A to %scan3A_50 step %scan3A_51 iter_args(%scan3A_231 = %broadcast_in_dim3A_48, %scan3A_232 = %broadcast_in_dim3A_44, %scan3A_233 = %broadcast_in_dim3A_48, %scan3A_234 = %broadcast_in_dim3A_44) -> (vector<16xf32>, vector<16xi32>, vector<16xf32>, vector<16xi32>)  : i32 {
      %mul3A_235 = arith.constant 2 : i32
      %mul3A_236 = arith.muli %mul3A_235, %scan3A_230 : i32
      %mul3A_237 = arith.constant 16 : i32
      %mul3A_238 = arith.muli %mul3A_236, %mul3A_237 : i32
      %get3A_239 = arith.index_cast %mul3A_238 : i32 to index
      %get3A_240 = tpu.vector_load %arg6[%get3A_239] {strides = array<i32>} : memref<1024xf32, #tpu.memory_space<vmem>>, vector<16xf32>,
      %get3A_241 = vector.shape_cast %get3A_240 : vector<16xf32> to vector<16xf32>
      %mul3A_242 = arith.constant 2 : i32
      %mul3A_243 = arith.muli %mul3A_242, %scan3A_230 : i32
      %mul3A_244 = arith.constant 16 : i32
      %mul3A_245 = arith.muli %mul3A_243, %mul3A_244 : i32
      %get3A_246 = arith.index_cast %mul3A_245 : i32 to index
      %get3A_247 = tpu.vector_load %arg7[%get3A_246] {strides = array<i32>} : memref<1024xf32, #tpu.memory_space<vmem>>, vector<16xf32>,
      %get3A_248 = vector.shape_cast %get3A_247 : vector<16xf32> to vector<16xf32>
      %sub3A_249 = arith.constant 1.000000e+00 : f32
      %sub3A_250 = vector.broadcast %sub3A_249 : f32 to vector<16xf32>
      %sub3A_251 = arith.subf %sub3A_250, %get3A_248 : vector<16xf32>
      %mul3A_252 = arith.mulf %get3A_241, %sub3A_251 : vector<16xf32>
      %mul3A_253 = arith.constant 1.000000e+30 : f32
      %mul3A_254 = vector.broadcast %mul3A_253 : f32 to vector<16xf32>
      %mul3A_255 = arith.mulf %mul3A_254, %get3A_248 : vector<16xf32>
      %sub3A_256 = arith.subf %mul3A_252, %mul3A_255 : vector<16xf32>
      %mul3A_257 = arith.constant 2 : i32
      %mul3A_258 = arith.muli %mul3A_257, %scan3A_230 : i32
      %mul3A_259 = arith.constant 16 : i32
      %mul3A_260 = arith.muli %mul3A_258, %mul3A_259 : i32
      %swap3A_261 = arith.index_cast %mul3A_260 : i32 to index
      %swap3A_262 = tpu.vector_load %arg8[%swap3A_261] {strides = array<i32>} : memref<1024xf32, #tpu.memory_space<vmem>>, vector<16xf32>,
      %swap3A_263 = vector.shape_cast %swap3A_262 : vector<16xf32> to vector<16xf32>
      %swap3A_264 = vector.shape_cast %sub3A_256 : vector<16xf32> to vector<16xf32>
      tpu.vector_store %arg8[%swap3A_261], %swap3A_264 {strides = array<i32>} : memref<1024xf32, #tpu.memory_space<vmem>>, vector<16xf32>,
      %mul3A_265 = arith.constant 2 : i32
      %mul3A_266 = arith.muli %mul3A_265, %scan3A_230 : i32
      %add3A_267 = arith.constant 1 : i32
      %add3A_268 = arith.addi %mul3A_266, %add3A_267 : i32
      %mul3A_269 = arith.constant 16 : i32
      %mul3A_270 = arith.muli %add3A_268, %mul3A_269 : i32
      %get3A_271 = arith.index_cast %mul3A_270 : i32 to index
      %get3A_272 = tpu.vector_load %arg6[%get3A_271] {strides = array<i32>} : memref<1024xf32, #tpu.memory_space<vmem>>, vector<16xf32>,
      %get3A_273 = vector.shape_cast %get3A_272 : vector<16xf32> to vector<16xf32>
      %mul3A_274 = arith.constant 2 : i32
      %mul3A_275 = arith.muli %mul3A_274, %scan3A_230 : i32
      %add3A_276 = arith.constant 1 : i32
      %add3A_277 = arith.addi %mul3A_275, %add3A_276 : i32
      %mul3A_278 = arith.constant 16 : i32
      %mul3A_279 = arith.muli %add3A_277, %mul3A_278 : i32
      %get3A_280 = arith.index_cast %mul3A_279 : i32 to index
      %get3A_281 = tpu.vector_load %arg7[%get3A_280] {strides = array<i32>} : memref<1024xf32, #tpu.memory_space<vmem>>, vector<16xf32>,
      %get3A_282 = vector.shape_cast %get3A_281 : vector<16xf32> to vector<16xf32>
      %sub3A_283 = arith.constant 1.000000e+00 : f32
      %sub3A_284 = vector.broadcast %sub3A_283 : f32 to vector<16xf32>
      %sub3A_285 = arith.subf %sub3A_284, %get3A_282 : vector<16xf32>
      %mul3A_286 = arith.mulf %get3A_273, %sub3A_285 : vector<16xf32>
      %mul3A_287 = arith.constant 1.000000e+30 : f32
      %mul3A_288 = vector.broadcast %mul3A_287 : f32 to vector<16xf32>
      %mul3A_289 = arith.mulf %mul3A_288, %get3A_282 : vector<16xf32>
      %sub3A_290 = arith.subf %mul3A_286, %mul3A_289 : vector<16xf32>
      %mul3A_291 = arith.constant 2 : i32
      %mul3A_292 = arith.muli %mul3A_291, %scan3A_230 : i32
      %add3A_293 = arith.constant 1 : i32
      %add3A_294 = arith.addi %mul3A_292, %add3A_293 : i32
      %mul3A_295 = arith.constant 16 : i32
      %mul3A_296 = arith.muli %add3A_294, %mul3A_295 : i32
      %swap3A_297 = arith.index_cast %mul3A_296 : i32 to index
      %swap3A_298 = tpu.vector_load %arg8[%swap3A_297] {strides = array<i32>} : memref<1024xf32, #tpu.memory_space<vmem>>, vector<16xf32>,
      %swap3A_299 = vector.shape_cast %swap3A_298 : vector<16xf32> to vector<16xf32>
      %swap3A_300 = vector.shape_cast %sub3A_290 : vector<16xf32> to vector<16xf32>
      tpu.vector_store %arg8[%swap3A_297], %swap3A_300 {strides = array<i32>} : memref<1024xf32, #tpu.memory_space<vmem>>, vector<16xf32>,
      %gt3A_301 = arith.cmpf ogt, %sub3A_256, %scan3A_231 : vector<16xf32>
      %select_n3A_302 = arith.select %gt3A_301, %sub3A_256, %scan3A_231 : vector<16xi1>, vector<16xf32>
      %broadcast_in_dim3A_303 = vector.broadcast %scan3A_230 : i32 to vector<16xi32>
      %select_n3A_304 = arith.select %gt3A_301, %broadcast_in_dim3A_303, %scan3A_232 : vector<16xi1>, vector<16xi32>
      %gt3A_305 = arith.cmpf ogt, %sub3A_290, %scan3A_233 : vector<16xf32>
      %select_n3A_306 = arith.select %gt3A_305, %sub3A_290, %scan3A_233 : vector<16xi1>, vector<16xf32>
      %broadcast_in_dim3A_307 = vector.broadcast %scan3A_230 : i32 to vector<16xi32>
      %select_n3A_308 = arith.select %gt3A_305, %broadcast_in_dim3A_307, %scan3A_234 : vector<16xi1>, vector<16xi32>
      %scan3A_309 = arith.constant 1 : i32
      %scan3A_310 = arith.addi %scan3A_230, %scan3A_309 : i32
      %mul3A_311 = arith.constant 2 : i32
      %mul3A_312 = arith.muli %mul3A_311, %scan3A_310 : i32
      %mul3A_313 = arith.constant 16 : i32
      %mul3A_314 = arith.muli %mul3A_312, %mul3A_313 : i32
      %get3A_315 = arith.index_cast %mul3A_314 : i32 to index
      %get3A_316 = tpu.vector_load %arg6[%get3A_315] {strides = array<i32>} : memref<1024xf32, #tpu.memory_space<vmem>>, vector<16xf32>,
      %get3A_317 = vector.shape_cast %get3A_316 : vector<16xf32> to vector<16xf32>
      %mul3A_318 = arith.constant 2 : i32
      %mul3A_319 = arith.muli %mul3A_318, %scan3A_310 : i32
      %mul3A_320 = arith.constant 16 : i32
      %mul3A_321 = arith.muli %mul3A_319, %mul3A_320 : i32
      %get3A_322 = arith.index_cast %mul3A_321 : i32 to index
      %get3A_323 = tpu.vector_load %arg7[%get3A_322] {strides = array<i32>} : memref<1024xf32, #tpu.memory_space<vmem>>, vector<16xf32>,
      %get3A_324 = vector.shape_cast %get3A_323 : vector<16xf32> to vector<16xf32>
      %sub3A_325 = arith.constant 1.000000e+00 : f32
      %sub3A_326 = vector.broadcast %sub3A_325 : f32 to vector<16xf32>
      %sub3A_327 = arith.subf %sub3A_326, %get3A_324 : vector<16xf32>
      %mul3A_328 = arith.mulf %get3A_317, %sub3A_327 : vector<16xf32>
      %mul3A_329 = arith.constant 1.000000e+30 : f32
      %mul3A_330 = vector.broadcast %mul3A_329 : f32 to vector<16xf32>
      %mul3A_331 = arith.mulf %mul3A_330, %get3A_324 : vector<16xf32>
      %sub3A_332 = arith.subf %mul3A_328, %mul3A_331 : vector<16xf32>
      %mul3A_333 = arith.constant 2 : i32
      %mul3A_334 = arith.muli %mul3A_333, %scan3A_310 : i32
      %mul3A_335 = arith.constant 16 : i32
      %mul3A_336 = arith.muli %mul3A_334, %mul3A_335 : i32
      %swap3A_337 = arith.index_cast %mul3A_336 : i32 to index
      %swap3A_338 = tpu.vector_load %arg8[%swap3A_337] {strides = array<i32>} : memref<1024xf32, #tpu.memory_space<vmem>>, vector<16xf32>,
      %swap3A_339 = vector.shape_cast %swap3A_338 : vector<16xf32> to vector<16xf32>
      %swap3A_340 = vector.shape_cast %sub3A_332 : vector<16xf32> to vector<16xf32>
      tpu.vector_store %arg8[%swap3A_337], %swap3A_340 {strides = array<i32>} : memref<1024xf32, #tpu.memory_space<vmem>>, vector<16xf32>,
      %mul3A_341 = arith.constant 2 : i32
      %mul3A_342 = arith.muli %mul3A_341, %scan3A_310 : i32
      %add3A_343 = arith.constant 1 : i32
      %add3A_344 = arith.addi %mul3A_342, %add3A_343 : i32
      %mul3A_345 = arith.constant 16 : i32
      %mul3A_346 = arith.muli %add3A_344, %mul3A_345 : i32
      %get3A_347 = arith.index_cast %mul3A_346 : i32 to index
      %get3A_348 = tpu.vector_load %arg6[%get3A_347] {strides = array<i32>} : memref<1024xf32, #tpu.memory_space<vmem>>, vector<16xf32>,
      %get3A_349 = vector.shape_cast %get3A_348 : vector<16xf32> to vector<16xf32>
      %mul3A_350 = arith.constant 2 : i32
      %mul3A_351 = arith.muli %mul3A_350, %scan3A_310 : i32
      %add3A_352 = arith.constant 1 : i32
      %add3A_353 = arith.addi %mul3A_351, %add3A_352 : i32
      %mul3A_354 = arith.constant 16 : i32
      %mul3A_355 = arith.muli %add3A_353, %mul3A_354 : i32
      %get3A_356 = arith.index_cast %mul3A_355 : i32 to index
      %get3A_357 = tpu.vector_load %arg7[%get3A_356] {strides = array<i32>} : memref<1024xf32, #tpu.memory_space<vmem>>, vector<16xf32>,
      %get3A_358 = vector.shape_cast %get3A_357 : vector<16xf32> to vector<16xf32>
      %sub3A_359 = arith.constant 1.000000e+00 : f32
      %sub3A_360 = vector.broadcast %sub3A_359 : f32 to vector<16xf32>
      %sub3A_361 = arith.subf %sub3A_360, %get3A_358 : vector<16xf32>
      %mul3A_362 = arith.mulf %get3A_349, %sub3A_361 : vector<16xf32>
      %mul3A_363 = arith.constant 1.000000e+30 : f32
      %mul3A_364 = vector.broadcast %mul3A_363 : f32 to vector<16xf32>
      %mul3A_365 = arith.mulf %mul3A_364, %get3A_358 : vector<16xf32>
      %sub3A_366 = arith.subf %mul3A_362, %mul3A_365 : vector<16xf32>
      %mul3A_367 = arith.constant 2 : i32
      %mul3A_368 = arith.muli %mul3A_367, %scan3A_310 : i32
      %add3A_369 = arith.constant 1 : i32
      %add3A_370 = arith.addi %mul3A_368, %add3A_369 : i32
      %mul3A_371 = arith.constant 16 : i32
      %mul3A_372 = arith.muli %add3A_370, %mul3A_371 : i32
      %swap3A_373 = arith.index_cast %mul3A_372 : i32 to index
      %swap3A_374 = tpu.vector_load %arg8[%swap3A_373] {strides = array<i32>} : memref<1024xf32, #tpu.memory_space<vmem>>, vector<16xf32>,
      %swap3A_375 = vector.shape_cast %swap3A_374 : vector<16xf32> to vector<16xf32>
      %swap3A_376 = vector.shape_cast %sub3A_366 : vector<16xf32> to vector<16xf32>
      tpu.vector_store %arg8[%swap3A_373], %swap3A_376 {strides = array<i32>} : memref<1024xf32, #tpu.memory_space<vmem>>, vector<16xf32>,
      %gt3A_377 = arith.cmpf ogt, %sub3A_332, %select_n3A_302 : vector<16xf32>
      %select_n3A_378 = arith.select %gt3A_377, %sub3A_332, %select_n3A_302 : vector<16xi1>, vector<16xf32>
      %broadcast_in_dim3A_379 = vector.broadcast %scan3A_310 : i32 to vector<16xi32>
      %select_n3A_380 = arith.select %gt3A_377, %broadcast_in_dim3A_379, %select_n3A_304 : vector<16xi1>, vector<16xi32>
      %gt3A_381 = arith.cmpf ogt, %sub3A_366, %select_n3A_306 : vector<16xf32>
      %select_n3A_382 = arith.select %gt3A_381, %sub3A_366, %select_n3A_306 : vector<16xi1>, vector<16xf32>
      %broadcast_in_dim3A_383 = vector.broadcast %scan3A_310 : i32 to vector<16xi32>
      %select_n3A_384 = arith.select %gt3A_381, %broadcast_in_dim3A_383, %select_n3A_308 : vector<16xi1>, vector<16xi32>
      %scan3A_385 = arith.constant 2 : i32
      %scan3A_386 = arith.addi %scan3A_230, %scan3A_385 : i32
      %mul3A_387 = arith.constant 2 : i32
      %mul3A_388 = arith.muli %mul3A_387, %scan3A_386 : i32
      %mul3A_389 = arith.constant 16 : i32
      %mul3A_390 = arith.muli %mul3A_388, %mul3A_389 : i32
      %get3A_391 = arith.index_cast %mul3A_390 : i32 to index
      %get3A_392 = tpu.vector_load %arg6[%get3A_391] {strides = array<i32>} : memref<1024xf32, #tpu.memory_space<vmem>>, vector<16xf32>,
      %get3A_393 = vector.shape_cast %get3A_392 : vector<16xf32> to vector<16xf32>
      %mul3A_394 = arith.constant 2 : i32
      %mul3A_395 = arith.muli %mul3A_394, %scan3A_386 : i32
      %mul3A_396 = arith.constant 16 : i32
      %mul3A_397 = arith.muli %mul3A_395, %mul3A_396 : i32
      %get3A_398 = arith.index_cast %mul3A_397 : i32 to index
      %get3A_399 = tpu.vector_load %arg7[%get3A_398] {strides = array<i32>} : memref<1024xf32, #tpu.memory_space<vmem>>, vector<16xf32>,
      %get3A_400 = vector.shape_cast %get3A_399 : vector<16xf32> to vector<16xf32>
      %sub3A_401 = arith.constant 1.000000e+00 : f32
      %sub3A_402 = vector.broadcast %sub3A_401 : f32 to vector<16xf32>
      %sub3A_403 = arith.subf %sub3A_402, %get3A_400 : vector<16xf32>
      %mul3A_404 = arith.mulf %get3A_393, %sub3A_403 : vector<16xf32>
      %mul3A_405 = arith.constant 1.000000e+30 : f32
      %mul3A_406 = vector.broadcast %mul3A_405 : f32 to vector<16xf32>
      %mul3A_407 = arith.mulf %mul3A_406, %get3A_400 : vector<16xf32>
      %sub3A_408 = arith.subf %mul3A_404, %mul3A_407 : vector<16xf32>
      %mul3A_409 = arith.constant 2 : i32
      %mul3A_410 = arith.muli %mul3A_409, %scan3A_386 : i32
      %mul3A_411 = arith.constant 16 : i32
      %mul3A_412 = arith.muli %mul3A_410, %mul3A_411 : i32
      %swap3A_413 = arith.index_cast %mul3A_412 : i32 to index
      %swap3A_414 = tpu.vector_load %arg8[%swap3A_413] {strides = array<i32>} : memref<1024xf32, #tpu.memory_space<vmem>>, vector<16xf32>,
      %swap3A_415 = vector.shape_cast %swap3A_414 : vector<16xf32> to vector<16xf32>
      %swap3A_416 = vector.shape_cast %sub3A_408 : vector<16xf32> to vector<16xf32>
      tpu.vector_store %arg8[%swap3A_413], %swap3A_416 {strides = array<i32>} : memref<1024xf32, #tpu.memory_space<vmem>>, vector<16xf32>,
      %mul3A_417 = arith.constant 2 : i32
      %mul3A_418 = arith.muli %mul3A_417, %scan3A_386 : i32
      %add3A_419 = arith.constant 1 : i32
      %add3A_420 = arith.addi %mul3A_418, %add3A_419 : i32
      %mul3A_421 = arith.constant 16 : i32
      %mul3A_422 = arith.muli %add3A_420, %mul3A_421 : i32
      %get3A_423 = arith.index_cast %mul3A_422 : i32 to index
      %get3A_424 = tpu.vector_load %arg6[%get3A_423] {strides = array<i32>} : memref<1024xf32, #tpu.memory_space<vmem>>, vector<16xf32>,
      %get3A_425 = vector.shape_cast %get3A_424 : vector<16xf32> to vector<16xf32>
      %mul3A_426 = arith.constant 2 : i32
      %mul3A_427 = arith.muli %mul3A_426, %scan3A_386 : i32
      %add3A_428 = arith.constant 1 : i32
      %add3A_429 = arith.addi %mul3A_427, %add3A_428 : i32
      %mul3A_430 = arith.constant 16 : i32
      %mul3A_431 = arith.muli %add3A_429, %mul3A_430 : i32
      %get3A_432 = arith.index_cast %mul3A_431 : i32 to index
      %get3A_433 = tpu.vector_load %arg7[%get3A_432] {strides = array<i32>} : memref<1024xf32, #tpu.memory_space<vmem>>, vector<16xf32>,
      %get3A_434 = vector.shape_cast %get3A_433 : vector<16xf32> to vector<16xf32>
      %sub3A_435 = arith.constant 1.000000e+00 : f32
      %sub3A_436 = vector.broadcast %sub3A_435 : f32 to vector<16xf32>
      %sub3A_437 = arith.subf %sub3A_436, %get3A_434 : vector<16xf32>
      %mul3A_438 = arith.mulf %get3A_425, %sub3A_437 : vector<16xf32>
      %mul3A_439 = arith.constant 1.000000e+30 : f32
      %mul3A_440 = vector.broadcast %mul3A_439 : f32 to vector<16xf32>
      %mul3A_441 = arith.mulf %mul3A_440, %get3A_434 : vector<16xf32>
      %sub3A_442 = arith.subf %mul3A_438, %mul3A_441 : vector<16xf32>
      %mul3A_443 = arith.constant 2 : i32
      %mul3A_444 = arith.muli %mul3A_443, %scan3A_386 : i32
      %add3A_445 = arith.constant 1 : i32
      %add3A_446 = arith.addi %mul3A_444, %add3A_445 : i32
      %mul3A_447 = arith.constant 16 : i32
      %mul3A_448 = arith.muli %add3A_446, %mul3A_447 : i32
      %swap3A_449 = arith.index_cast %mul3A_448 : i32 to index
      %swap3A_450 = tpu.vector_load %arg8[%swap3A_449] {strides = array<i32>} : memref<1024xf32, #tpu.memory_space<vmem>>, vector<16xf32>,
      %swap3A_451 = vector.shape_cast %swap3A_450 : vector<16xf32> to vector<16xf32>
      %swap3A_452 = vector.shape_cast %sub3A_442 : vector<16xf32> to vector<16xf32>
      tpu.vector_store %arg8[%swap3A_449], %swap3A_452 {strides = array<i32>} : memref<1024xf32, #tpu.memory_space<vmem>>, vector<16xf32>,
      %gt3A_453 = arith.cmpf ogt, %sub3A_408, %select_n3A_378 : vector<16xf32>
      %select_n3A_454 = arith.select %gt3A_453, %sub3A_408, %select_n3A_378 : vector<16xi1>, vector<16xf32>
      %broadcast_in_dim3A_455 = vector.broadcast %scan3A_386 : i32 to vector<16xi32>
      %select_n3A_456 = arith.select %gt3A_453, %broadcast_in_dim3A_455, %select_n3A_380 : vector<16xi1>, vector<16xi32>
      %gt3A_457 = arith.cmpf ogt, %sub3A_442, %select_n3A_382 : vector<16xf32>
      %select_n3A_458 = arith.select %gt3A_457, %sub3A_442, %select_n3A_382 : vector<16xi1>, vector<16xf32>
      %broadcast_in_dim3A_459 = vector.broadcast %scan3A_386 : i32 to vector<16xi32>
      %select_n3A_460 = arith.select %gt3A_457, %broadcast_in_dim3A_459, %select_n3A_384 : vector<16xi1>, vector<16xi32>
      %scan3A_461 = arith.constant 3 : i32
      %scan3A_462 = arith.addi %scan3A_230, %scan3A_461 : i32
      %mul3A_463 = arith.constant 2 : i32
      %mul3A_464 = arith.muli %mul3A_463, %scan3A_462 : i32
      %mul3A_465 = arith.constant 16 : i32
      %mul3A_466 = arith.muli %mul3A_464, %mul3A_465 : i32
      %get3A_467 = arith.index_cast %mul3A_466 : i32 to index
      %get3A_468 = tpu.vector_load %arg6[%get3A_467] {strides = array<i32>} : memref<1024xf32, #tpu.memory_space<vmem>>, vector<16xf32>,
      %get3A_469 = vector.shape_cast %get3A_468 : vector<16xf32> to vector<16xf32>
      %mul3A_470 = arith.constant 2 : i32
      %mul3A_471 = arith.muli %mul3A_470, %scan3A_462 : i32
      %mul3A_472 = arith.constant 16 : i32
      %mul3A_473 = arith.muli %mul3A_471, %mul3A_472 : i32
      %get3A_474 = arith.index_cast %mul3A_473 : i32 to index
      %get3A_475 = tpu.vector_load %arg7[%get3A_474] {strides = array<i32>} : memref<1024xf32, #tpu.memory_space<vmem>>, vector<16xf32>,
      %get3A_476 = vector.shape_cast %get3A_475 : vector<16xf32> to vector<16xf32>
      %sub3A_477 = arith.constant 1.000000e+00 : f32
      %sub3A_478 = vector.broadcast %sub3A_477 : f32 to vector<16xf32>
      %sub3A_479 = arith.subf %sub3A_478, %get3A_476 : vector<16xf32>
      %mul3A_480 = arith.mulf %get3A_469, %sub3A_479 : vector<16xf32>
      %mul3A_481 = arith.constant 1.000000e+30 : f32
      %mul3A_482 = vector.broadcast %mul3A_481 : f32 to vector<16xf32>
      %mul3A_483 = arith.mulf %mul3A_482, %get3A_476 : vector<16xf32>
      %sub3A_484 = arith.subf %mul3A_480, %mul3A_483 : vector<16xf32>
      %mul3A_485 = arith.constant 2 : i32
      %mul3A_486 = arith.muli %mul3A_485, %scan3A_462 : i32
      %mul3A_487 = arith.constant 16 : i32
      %mul3A_488 = arith.muli %mul3A_486, %mul3A_487 : i32
      %swap3A_489 = arith.index_cast %mul3A_488 : i32 to index
      %swap3A_490 = tpu.vector_load %arg8[%swap3A_489] {strides = array<i32>} : memref<1024xf32, #tpu.memory_space<vmem>>, vector<16xf32>,
      %swap3A_491 = vector.shape_cast %swap3A_490 : vector<16xf32> to vector<16xf32>
      %swap3A_492 = vector.shape_cast %sub3A_484 : vector<16xf32> to vector<16xf32>
      tpu.vector_store %arg8[%swap3A_489], %swap3A_492 {strides = array<i32>} : memref<1024xf32, #tpu.memory_space<vmem>>, vector<16xf32>,
      %mul3A_493 = arith.constant 2 : i32
      %mul3A_494 = arith.muli %mul3A_493, %scan3A_462 : i32
      %add3A_495 = arith.constant 1 : i32
      %add3A_496 = arith.addi %mul3A_494, %add3A_495 : i32
      %mul3A_497 = arith.constant 16 : i32
      %mul3A_498 = arith.muli %add3A_496, %mul3A_497 : i32
      %get3A_499 = arith.index_cast %mul3A_498 : i32 to index
      %get3A_500 = tpu.vector_load %arg6[%get3A_499] {strides = array<i32>} : memref<1024xf32, #tpu.memory_space<vmem>>, vector<16xf32>,
      %get3A_501 = vector.shape_cast %get3A_500 : vector<16xf32> to vector<16xf32>
      %mul3A_502 = arith.constant 2 : i32
      %mul3A_503 = arith.muli %mul3A_502, %scan3A_462 : i32
      %add3A_504 = arith.constant 1 : i32
      %add3A_505 = arith.addi %mul3A_503, %add3A_504 : i32
      %mul3A_506 = arith.constant 16 : i32
      %mul3A_507 = arith.muli %add3A_505, %mul3A_506 : i32
      %get3A_508 = arith.index_cast %mul3A_507 : i32 to index
      %get3A_509 = tpu.vector_load %arg7[%get3A_508] {strides = array<i32>} : memref<1024xf32, #tpu.memory_space<vmem>>, vector<16xf32>,
      %get3A_510 = vector.shape_cast %get3A_509 : vector<16xf32> to vector<16xf32>
      %sub3A_511 = arith.constant 1.000000e+00 : f32
      %sub3A_512 = vector.broadcast %sub3A_511 : f32 to vector<16xf32>
      %sub3A_513 = arith.subf %sub3A_512, %get3A_510 : vector<16xf32>
      %mul3A_514 = arith.mulf %get3A_501, %sub3A_513 : vector<16xf32>
      %mul3A_515 = arith.constant 1.000000e+30 : f32
      %mul3A_516 = vector.broadcast %mul3A_515 : f32 to vector<16xf32>
      %mul3A_517 = arith.mulf %mul3A_516, %get3A_510 : vector<16xf32>
      %sub3A_518 = arith.subf %mul3A_514, %mul3A_517 : vector<16xf32>
      %mul3A_519 = arith.constant 2 : i32
      %mul3A_520 = arith.muli %mul3A_519, %scan3A_462 : i32
      %add3A_521 = arith.constant 1 : i32
      %add3A_522 = arith.addi %mul3A_520, %add3A_521 : i32
      %mul3A_523 = arith.constant 16 : i32
      %mul3A_524 = arith.muli %add3A_522, %mul3A_523 : i32
      %swap3A_525 = arith.index_cast %mul3A_524 : i32 to index
      %swap3A_526 = tpu.vector_load %arg8[%swap3A_525] {strides = array<i32>} : memref<1024xf32, #tpu.memory_space<vmem>>, vector<16xf32>,
      %swap3A_527 = vector.shape_cast %swap3A_526 : vector<16xf32> to vector<16xf32>
      %swap3A_528 = vector.shape_cast %sub3A_518 : vector<16xf32> to vector<16xf32>
      tpu.vector_store %arg8[%swap3A_525], %swap3A_528 {strides = array<i32>} : memref<1024xf32, #tpu.memory_space<vmem>>, vector<16xf32>,
      %gt3A_529 = arith.cmpf ogt, %sub3A_484, %select_n3A_454 : vector<16xf32>
      %select_n3A_530 = arith.select %gt3A_529, %sub3A_484, %select_n3A_454 : vector<16xi1>, vector<16xf32>
      %broadcast_in_dim3A_531 = vector.broadcast %scan3A_462 : i32 to vector<16xi32>
      %select_n3A_532 = arith.select %gt3A_529, %broadcast_in_dim3A_531, %select_n3A_456 : vector<16xi1>, vector<16xi32>
      %gt3A_533 = arith.cmpf ogt, %sub3A_518, %select_n3A_458 : vector<16xf32>
      %select_n3A_534 = arith.select %gt3A_533, %sub3A_518, %select_n3A_458 : vector<16xi1>, vector<16xf32>
      %broadcast_in_dim3A_535 = vector.broadcast %scan3A_462 : i32 to vector<16xi32>
      %select_n3A_536 = arith.select %gt3A_533, %broadcast_in_dim3A_535, %select_n3A_460 : vector<16xi1>, vector<16xi32>
      scf.yield %select_n3A_530, %select_n3A_532, %select_n3A_534, %select_n3A_536 : vector<16xf32>, vector<16xi32>, vector<16xf32>, vector<16xi32>
    }
    %scan3A_53 = arith.constant 32 : i32
    %dma_start3A_54 = tpu.memref_slice %arg4[%select_n3A, %mul3A_29] : memref<4x4096xf32, #tpu.memory_space<hbm>> -> memref<1x1024xf32, #tpu.memory_space<hbm>>
    %dma_start3A_55 = tpu.memref_squeeze %dma_start3A_54 : memref<1x1024xf32, #tpu.memory_space<hbm>> -> memref<1024xf32, #tpu.memory_space<hbm>>
    %dma_start3A_56 = tpu.memref_slice %arg4[%select_n3A, %mul3A_29] : memref<4x4096xf32, #tpu.memory_space<hbm>> -> memref<1x1024xf32, #tpu.memory_space<hbm>>
    %dma_start3A_57 = tpu.memref_squeeze %dma_start3A_56 : memref<1x1024xf32, #tpu.memory_space<hbm>> -> memref<1024xf32, #tpu.memory_space<hbm>>
    tpu.enqueue_dma source(%arg8 : memref<1024xf32, #tpu.memory_space<vmem>>) target(%dma_start3A_57 : memref<1024xf32, #tpu.memory_space<hbm>>) target_semaphore(%arg17 : memref<!tpu.dma_semaphore, #tpu.memory_space<semaphore_mem>>)
    %broadcast_in_dim3A_58 = vector.broadcast %mul3A_29 : i32 to vector<16xi32>
    %add3A_59 = arith.addi %broadcast_in_dim3A_58, %iota3A : vector<16xi32>
    %mul3A_60 = arith.constant 2 : i32
    %mul3A_61 = vector.broadcast %mul3A_60 : i32 to vector<16xi32>
    %mul3A_62 = arith.muli %mul3A_61, %scan3A_52#1 : vector<16xi32>
    %mul3A_63 = arith.constant 16 : i32
    %mul3A_64 = vector.broadcast %mul3A_63 : i32 to vector<16xi32>
    %mul3A_65 = arith.muli %mul3A_62, %mul3A_64 : vector<16xi32>
    %add3A_66 = arith.addi %add3A_59, %mul3A_65 : vector<16xi32>
    %mul3A_67 = arith.constant 2 : i32
    %mul3A_68 = vector.broadcast %mul3A_67 : i32 to vector<16xi32>
    %mul3A_69 = arith.muli %mul3A_68, %scan3A_52#3 : vector<16xi32>
    %add3A_70 = arith.constant 1 : i32
    %add3A_71 = vector.broadcast %add3A_70 : i32 to vector<16xi32>
    %add3A_72 = arith.addi %mul3A_69, %add3A_71 : vector<16xi32>
    %mul3A_73 = arith.constant 16 : i32
    %mul3A_74 = vector.broadcast %mul3A_73 : i32 to vector<16xi32>
    %mul3A_75 = arith.muli %add3A_72, %mul3A_74 : vector<16xi32>
    %add3A_76 = arith.addi %add3A_59, %mul3A_75 : vector<16xi32>
    %gt3A = arith.cmpf ogt, %scan3A_52#2, %scan3A_52#0 : vector<16xf32>
    %eq3A_77 = arith.cmpf oeq, %scan3A_52#2, %scan3A_52#0 : vector<16xf32>
    %lt3A_78 = arith.cmpi slt, %add3A_76, %add3A_66 : vector<16xi32>
    %and3A_79 = arith.andi %eq3A_77, %lt3A_78 : vector<16xi1>
    %or3A = arith.ori %gt3A, %and3A_79 : vector<16xi1>
    %select_n3A_80 = arith.select %or3A, %scan3A_52#2, %scan3A_52#0 : vector<16xi1>, vector<16xf32>
    %select_n3A_81 = arith.select %or3A, %add3A_76, %add3A_66 : vector<16xi1>, vector<16xi32>
    %swap3A = arith.constant 0 : index
    %swap3A_82 = tpu.vector_load %arg10[%swap3A] {strides = array<i32>} : memref<16xf32, #tpu.memory_space<vmem>>, vector<16xf32>,
    %swap3A_83 = vector.shape_cast %swap3A_82 : vector<16xf32> to vector<16xf32>
    %swap3A_84 = vector.shape_cast %select_n3A_80 : vector<16xf32> to vector<16xf32>
    tpu.vector_store %arg10[%swap3A], %swap3A_84 {strides = array<i32>} : memref<16xf32, #tpu.memory_space<vmem>>, vector<16xf32>,
    %swap3A_85 = arith.constant 0 : index
    %swap3A_86 = tpu.vector_load %arg11[%swap3A_85] {strides = array<i32>} : memref<16xi32, #tpu.memory_space<vmem>>, vector<16xi32>,
    %swap3A_87 = vector.shape_cast %swap3A_86 : vector<16xi32> to vector<16xi32>
    %swap3A_88 = vector.shape_cast %select_n3A_81 : vector<16xi32> to vector<16xi32>
    tpu.vector_store %arg11[%swap3A_85], %swap3A_88 {strides = array<i32>} : memref<16xi32, #tpu.memory_space<vmem>>, vector<16xi32>,
    %mul3A_89 = arith.constant 16 : i32
    %mul3A_90 = arith.muli %arg1, %mul3A_89 : i32
    "tpu.region"() ({
      %run_scoped3A = tpu.sem_alloc : memref<!tpu.dma_semaphore, #tpu.memory_space<semaphore_mem>>
      %dma_start3A_230 = tpu.memref_slice %arg15[%mul3A_90] : memref<256xf32, #tpu.memory_space<vmem_shared>> -> memref<16xf32, #tpu.memory_space<vmem_shared>>
      %dma_start3A_231 = tpu.memref_slice %arg15[%mul3A_90] : memref<256xf32, #tpu.memory_space<vmem_shared>> -> memref<16xf32, #tpu.memory_space<vmem_shared>>
      tpu.enqueue_dma source(%arg10 : memref<16xf32, #tpu.memory_space<vmem>>) target(%dma_start3A_231 : memref<16xf32, #tpu.memory_space<vmem_shared>>) target_semaphore(%run_scoped3A : memref<!tpu.dma_semaphore, #tpu.memory_space<semaphore_mem>>)
      %dma_wait3A_232 = tpu.memref_slice %arg15[%mul3A_90] : memref<256xf32, #tpu.memory_space<vmem_shared>> -> memref<16xf32, #tpu.memory_space<vmem_shared>>
      %dma_wait3A_233 = tpu.memref_slice %arg15[%mul3A_90] : memref<256xf32, #tpu.memory_space<vmem_shared>> -> memref<16xf32, #tpu.memory_space<vmem_shared>>
      tpu.wait_dma2 semaphore(%run_scoped3A : memref<!tpu.dma_semaphore, #tpu.memory_space<semaphore_mem>>) src(%arg10 : memref<16xf32, #tpu.memory_space<vmem>>) dst(%dma_wait3A_233 : memref<16xf32, #tpu.memory_space<vmem_shared>>)
      tpu.yield
    }) : () -> ()
    %mul3A_91 = arith.constant 16 : i32
    %mul3A_92 = arith.muli %arg1, %mul3A_91 : i32
    "tpu.region"() ({
      %run_scoped3A = tpu.sem_alloc : memref<!tpu.dma_semaphore, #tpu.memory_space<semaphore_mem>>
      %dma_start3A_230 = tpu.memref_slice %arg16[%mul3A_92] : memref<256xi32, #tpu.memory_space<vmem_shared>> -> memref<16xi32, #tpu.memory_space<vmem_shared>>
      %dma_start3A_231 = tpu.memref_slice %arg16[%mul3A_92] : memref<256xi32, #tpu.memory_space<vmem_shared>> -> memref<16xi32, #tpu.memory_space<vmem_shared>>
      tpu.enqueue_dma source(%arg11 : memref<16xi32, #tpu.memory_space<vmem>>) target(%dma_start3A_231 : memref<16xi32, #tpu.memory_space<vmem_shared>>) target_semaphore(%run_scoped3A : memref<!tpu.dma_semaphore, #tpu.memory_space<semaphore_mem>>)
      %dma_wait3A_232 = tpu.memref_slice %arg16[%mul3A_92] : memref<256xi32, #tpu.memory_space<vmem_shared>> -> memref<16xi32, #tpu.memory_space<vmem_shared>>
      %dma_wait3A_233 = tpu.memref_slice %arg16[%mul3A_92] : memref<256xi32, #tpu.memory_space<vmem_shared>> -> memref<16xi32, #tpu.memory_space<vmem_shared>>
      tpu.wait_dma2 semaphore(%run_scoped3A : memref<!tpu.dma_semaphore, #tpu.memory_space<semaphore_mem>>) src(%arg11 : memref<16xi32, #tpu.memory_space<vmem>>) dst(%dma_wait3A_233 : memref<16xi32, #tpu.memory_space<vmem_shared>>)
      tpu.yield
    }) : () -> ()
    %barrier3A = arith.constant 0 : index
    tpu.barrier barrier_id(%barrier3A)
    %mul3A_93 = arith.constant 4 : i32
    %mul3A_94 = arith.muli %select_n3A, %mul3A_93 : i32
    %mul3A_95 = arith.constant 16 : i32
    %mul3A_96 = arith.muli %mul3A_94, %mul3A_95 : i32
    "tpu.region"() ({
      %run_scoped3A = tpu.sem_alloc : memref<!tpu.dma_semaphore, #tpu.memory_space<semaphore_mem>>
      %dma_start3A_230 = tpu.memref_slice %arg15[%mul3A_96] : memref<256xf32, #tpu.memory_space<vmem_shared>> -> memref<64xf32, #tpu.memory_space<vmem_shared>>
      %dma_start3A_231 = tpu.memref_slice %arg15[%mul3A_96] : memref<256xf32, #tpu.memory_space<vmem_shared>> -> memref<64xf32, #tpu.memory_space<vmem_shared>>
      tpu.enqueue_dma source(%dma_start3A_231 : memref<64xf32, #tpu.memory_space<vmem_shared>>) target(%arg12 : memref<64xf32, #tpu.memory_space<vmem>>) target_semaphore(%run_scoped3A : memref<!tpu.dma_semaphore, #tpu.memory_space<semaphore_mem>>)
      %dma_wait3A_232 = tpu.memref_slice %arg15[%mul3A_96] : memref<256xf32, #tpu.memory_space<vmem_shared>> -> memref<64xf32, #tpu.memory_space<vmem_shared>>
      %dma_wait3A_233 = tpu.memref_slice %arg15[%mul3A_96] : memref<256xf32, #tpu.memory_space<vmem_shared>> -> memref<64xf32, #tpu.memory_space<vmem_shared>>
      tpu.wait_dma2 semaphore(%run_scoped3A : memref<!tpu.dma_semaphore, #tpu.memory_space<semaphore_mem>>) src(%dma_wait3A_233 : memref<64xf32, #tpu.memory_space<vmem_shared>>) dst(%arg12 : memref<64xf32, #tpu.memory_space<vmem>>)
      tpu.yield
    }) : () -> ()
    %mul3A_97 = arith.constant 4 : i32
    %mul3A_98 = arith.muli %select_n3A, %mul3A_97 : i32
    %mul3A_99 = arith.constant 16 : i32
    %mul3A_100 = arith.muli %mul3A_98, %mul3A_99 : i32
    "tpu.region"() ({
      %run_scoped3A = tpu.sem_alloc : memref<!tpu.dma_semaphore, #tpu.memory_space<semaphore_mem>>
      %dma_start3A_230 = tpu.memref_slice %arg16[%mul3A_100] : memref<256xi32, #tpu.memory_space<vmem_shared>> -> memref<64xi32, #tpu.memory_space<vmem_shared>>
      %dma_start3A_231 = tpu.memref_slice %arg16[%mul3A_100] : memref<256xi32, #tpu.memory_space<vmem_shared>> -> memref<64xi32, #tpu.memory_space<vmem_shared>>
      tpu.enqueue_dma source(%dma_start3A_231 : memref<64xi32, #tpu.memory_space<vmem_shared>>) target(%arg13 : memref<64xi32, #tpu.memory_space<vmem>>) target_semaphore(%run_scoped3A : memref<!tpu.dma_semaphore, #tpu.memory_space<semaphore_mem>>)
      %dma_wait3A_232 = tpu.memref_slice %arg16[%mul3A_100] : memref<256xi32, #tpu.memory_space<vmem_shared>> -> memref<64xi32, #tpu.memory_space<vmem_shared>>
      %dma_wait3A_233 = tpu.memref_slice %arg16[%mul3A_100] : memref<256xi32, #tpu.memory_space<vmem_shared>> -> memref<64xi32, #tpu.memory_space<vmem_shared>>
      tpu.wait_dma2 semaphore(%run_scoped3A : memref<!tpu.dma_semaphore, #tpu.memory_space<semaphore_mem>>) src(%dma_wait3A_233 : memref<64xi32, #tpu.memory_space<vmem_shared>>) dst(%arg13 : memref<64xi32, #tpu.memory_space<vmem>>)
      tpu.yield
    }) : () -> ()
    %get3A = arith.constant 0 : index
    %get3A_101 = tpu.vector_load %arg12[%get3A] {strides = array<i32>} : memref<64xf32, #tpu.memory_space<vmem>>, vector<16xf32>,
    %get3A_102 = vector.shape_cast %get3A_101 : vector<16xf32> to vector<16xf32>
    %get3A_103 = arith.constant 0 : index
    %get3A_104 = tpu.vector_load %arg13[%get3A_103] {strides = array<i32>} : memref<64xi32, #tpu.memory_space<vmem>>, vector<16xi32>,
    %get3A_105 = vector.shape_cast %get3A_104 : vector<16xi32> to vector<16xi32>
    %get3A_106 = arith.constant 16 : index
    %get3A_107 = tpu.vector_load %arg12[%get3A_106] {strides = array<i32>} : memref<64xf32, #tpu.memory_space<vmem>>, vector<16xf32>,
    %get3A_108 = vector.shape_cast %get3A_107 : vector<16xf32> to vector<16xf32>
    %get3A_109 = arith.constant 16 : index
    %get3A_110 = tpu.vector_load %arg13[%get3A_109] {strides = array<i32>} : memref<64xi32, #tpu.memory_space<vmem>>, vector<16xi32>,
    %get3A_111 = vector.shape_cast %get3A_110 : vector<16xi32> to vector<16xi32>
    %gt3A_112 = arith.cmpf ogt, %get3A_108, %get3A_102 : vector<16xf32>
    %eq3A_113 = arith.cmpf oeq, %get3A_108, %get3A_102 : vector<16xf32>
    %lt3A_114 = arith.cmpi slt, %get3A_111, %get3A_105 : vector<16xi32>
    %and3A_115 = arith.andi %eq3A_113, %lt3A_114 : vector<16xi1>
    %or3A_116 = arith.ori %gt3A_112, %and3A_115 : vector<16xi1>
    %select_n3A_117 = arith.select %or3A_116, %get3A_108, %get3A_102 : vector<16xi1>, vector<16xf32>
    %select_n3A_118 = arith.select %or3A_116, %get3A_111, %get3A_105 : vector<16xi1>, vector<16xi32>
    %get3A_119 = arith.constant 32 : index
    %get3A_120 = tpu.vector_load %arg12[%get3A_119] {strides = array<i32>} : memref<64xf32, #tpu.memory_space<vmem>>, vector<16xf32>,
    %get3A_121 = vector.shape_cast %get3A_120 : vector<16xf32> to vector<16xf32>
    %get3A_122 = arith.constant 32 : index
    %get3A_123 = tpu.vector_load %arg13[%get3A_122] {strides = array<i32>} : memref<64xi32, #tpu.memory_space<vmem>>, vector<16xi32>,
    %get3A_124 = vector.shape_cast %get3A_123 : vector<16xi32> to vector<16xi32>
    %gt3A_125 = arith.cmpf ogt, %get3A_121, %select_n3A_117 : vector<16xf32>
    %eq3A_126 = arith.cmpf oeq, %get3A_121, %select_n3A_117 : vector<16xf32>
    %lt3A_127 = arith.cmpi slt, %get3A_124, %select_n3A_118 : vector<16xi32>
    %and3A_128 = arith.andi %eq3A_126, %lt3A_127 : vector<16xi1>
    %or3A_129 = arith.ori %gt3A_125, %and3A_128 : vector<16xi1>
    %select_n3A_130 = arith.select %or3A_129, %get3A_121, %select_n3A_117 : vector<16xi1>, vector<16xf32>
    %select_n3A_131 = arith.select %or3A_129, %get3A_124, %select_n3A_118 : vector<16xi1>, vector<16xi32>
    %get3A_132 = arith.constant 48 : index
    %get3A_133 = tpu.vector_load %arg12[%get3A_132] {strides = array<i32>} : memref<64xf32, #tpu.memory_space<vmem>>, vector<16xf32>,
    %get3A_134 = vector.shape_cast %get3A_133 : vector<16xf32> to vector<16xf32>
    %get3A_135 = arith.constant 48 : index
    %get3A_136 = tpu.vector_load %arg13[%get3A_135] {strides = array<i32>} : memref<64xi32, #tpu.memory_space<vmem>>, vector<16xi32>,
    %get3A_137 = vector.shape_cast %get3A_136 : vector<16xi32> to vector<16xi32>
    %gt3A_138 = arith.cmpf ogt, %get3A_134, %select_n3A_130 : vector<16xf32>
    %eq3A_139 = arith.cmpf oeq, %get3A_134, %select_n3A_130 : vector<16xf32>
    %lt3A_140 = arith.cmpi slt, %get3A_137, %select_n3A_131 : vector<16xi32>
    %and3A_141 = arith.andi %eq3A_139, %lt3A_140 : vector<16xi1>
    %or3A_142 = arith.ori %gt3A_138, %and3A_141 : vector<16xi1>
    %select_n3A_143 = arith.select %or3A_142, %get3A_134, %select_n3A_130 : vector<16xi1>, vector<16xf32>
    %select_n3A_144 = arith.select %or3A_142, %get3A_137, %select_n3A_131 : vector<16xi1>, vector<16xi32>
    %xor3A = arith.constant 8 : i32
    %xor3A_145 = vector.broadcast %xor3A : i32 to vector<16xi32>
    %xor3A_146 = arith.xori %iota3A, %xor3A_145 : vector<16xi32>
    %broadcast_in_dim3A_147 = vector.shape_cast %xor3A_146 : vector<16xi32> to vector<16x1xi32>
    %gather3A = vector.shape_cast %broadcast_in_dim3A_147 : vector<16x1xi32> to vector<16xi32>
    %gather3A_148 = tpu.dynamic_gather %select_n3A_143[%gather3A] in [0] : vector<16xf32>, vector<16xi32> -> vector<16xf32>
    %broadcast_in_dim3A_149 = vector.shape_cast %xor3A_146 : vector<16xi32> to vector<16x1xi32>
    %gather3A_150 = vector.shape_cast %broadcast_in_dim3A_149 : vector<16x1xi32> to vector<16xi32>
    %gather3A_151 = tpu.dynamic_gather %select_n3A_144[%gather3A_150] in [0] : vector<16xi32>, vector<16xi32> -> vector<16xi32>
    %gt3A_152 = arith.cmpf ogt, %gather3A_148, %select_n3A_143 : vector<16xf32>
    %eq3A_153 = arith.cmpf oeq, %gather3A_148, %select_n3A_143 : vector<16xf32>
    %lt3A_154 = arith.cmpi slt, %gather3A_151, %select_n3A_144 : vector<16xi32>
    %and3A_155 = arith.andi %eq3A_153, %lt3A_154 : vector<16xi1>
    %or3A_156 = arith.ori %gt3A_152, %and3A_155 : vector<16xi1>
    %select_n3A_157 = arith.select %or3A_156, %gather3A_148, %select_n3A_143 : vector<16xi1>, vector<16xf32>
    %select_n3A_158 = arith.select %or3A_156, %gather3A_151, %select_n3A_144 : vector<16xi1>, vector<16xi32>
    %xor3A_159 = arith.constant 4 : i32
    %xor3A_160 = vector.broadcast %xor3A_159 : i32 to vector<16xi32>
    %xor3A_161 = arith.xori %iota3A, %xor3A_160 : vector<16xi32>
    %broadcast_in_dim3A_162 = vector.shape_cast %xor3A_161 : vector<16xi32> to vector<16x1xi32>
    %gather3A_163 = vector.shape_cast %broadcast_in_dim3A_162 : vector<16x1xi32> to vector<16xi32>
    %gather3A_164 = tpu.dynamic_gather %select_n3A_157[%gather3A_163] in [0] : vector<16xf32>, vector<16xi32> -> vector<16xf32>
    %broadcast_in_dim3A_165 = vector.shape_cast %xor3A_161 : vector<16xi32> to vector<16x1xi32>
    %gather3A_166 = vector.shape_cast %broadcast_in_dim3A_165 : vector<16x1xi32> to vector<16xi32>
    %gather3A_167 = tpu.dynamic_gather %select_n3A_158[%gather3A_166] in [0] : vector<16xi32>, vector<16xi32> -> vector<16xi32>
    %gt3A_168 = arith.cmpf ogt, %gather3A_164, %select_n3A_157 : vector<16xf32>
    %eq3A_169 = arith.cmpf oeq, %gather3A_164, %select_n3A_157 : vector<16xf32>
    %lt3A_170 = arith.cmpi slt, %gather3A_167, %select_n3A_158 : vector<16xi32>
    %and3A_171 = arith.andi %eq3A_169, %lt3A_170 : vector<16xi1>
    %or3A_172 = arith.ori %gt3A_168, %and3A_171 : vector<16xi1>
    %select_n3A_173 = arith.select %or3A_172, %gather3A_164, %select_n3A_157 : vector<16xi1>, vector<16xf32>
    %select_n3A_174 = arith.select %or3A_172, %gather3A_167, %select_n3A_158 : vector<16xi1>, vector<16xi32>
    %xor3A_175 = arith.constant 2 : i32
    %xor3A_176 = vector.broadcast %xor3A_175 : i32 to vector<16xi32>
    %xor3A_177 = arith.xori %iota3A, %xor3A_176 : vector<16xi32>
    %broadcast_in_dim3A_178 = vector.shape_cast %xor3A_177 : vector<16xi32> to vector<16x1xi32>
    %gather3A_179 = vector.shape_cast %broadcast_in_dim3A_178 : vector<16x1xi32> to vector<16xi32>
    %gather3A_180 = tpu.dynamic_gather %select_n3A_173[%gather3A_179] in [0] : vector<16xf32>, vector<16xi32> -> vector<16xf32>
    %broadcast_in_dim3A_181 = vector.shape_cast %xor3A_177 : vector<16xi32> to vector<16x1xi32>
    %gather3A_182 = vector.shape_cast %broadcast_in_dim3A_181 : vector<16x1xi32> to vector<16xi32>
    %gather3A_183 = tpu.dynamic_gather %select_n3A_174[%gather3A_182] in [0] : vector<16xi32>, vector<16xi32> -> vector<16xi32>
    %gt3A_184 = arith.cmpf ogt, %gather3A_180, %select_n3A_173 : vector<16xf32>
    %eq3A_185 = arith.cmpf oeq, %gather3A_180, %select_n3A_173 : vector<16xf32>
    %lt3A_186 = arith.cmpi slt, %gather3A_183, %select_n3A_174 : vector<16xi32>
    %and3A_187 = arith.andi %eq3A_185, %lt3A_186 : vector<16xi1>
    %or3A_188 = arith.ori %gt3A_184, %and3A_187 : vector<16xi1>
    %select_n3A_189 = arith.select %or3A_188, %gather3A_180, %select_n3A_173 : vector<16xi1>, vector<16xf32>
    %select_n3A_190 = arith.select %or3A_188, %gather3A_183, %select_n3A_174 : vector<16xi1>, vector<16xi32>
    %xor3A_191 = arith.constant 1 : i32
    %xor3A_192 = vector.broadcast %xor3A_191 : i32 to vector<16xi32>
    %xor3A_193 = arith.xori %iota3A, %xor3A_192 : vector<16xi32>
    %broadcast_in_dim3A_194 = vector.shape_cast %xor3A_193 : vector<16xi32> to vector<16x1xi32>
    %gather3A_195 = vector.shape_cast %broadcast_in_dim3A_194 : vector<16x1xi32> to vector<16xi32>
    %gather3A_196 = tpu.dynamic_gather %select_n3A_189[%gather3A_195] in [0] : vector<16xf32>, vector<16xi32> -> vector<16xf32>
    %broadcast_in_dim3A_197 = vector.shape_cast %xor3A_193 : vector<16xi32> to vector<16x1xi32>
    %gather3A_198 = vector.shape_cast %broadcast_in_dim3A_197 : vector<16x1xi32> to vector<16xi32>
    %gather3A_199 = tpu.dynamic_gather %select_n3A_190[%gather3A_198] in [0] : vector<16xi32>, vector<16xi32> -> vector<16xi32>
    %gt3A_200 = arith.cmpf ogt, %gather3A_196, %select_n3A_189 : vector<16xf32>
    %eq3A_201 = arith.cmpf oeq, %gather3A_196, %select_n3A_189 : vector<16xf32>
    %lt3A_202 = arith.cmpi slt, %gather3A_199, %select_n3A_190 : vector<16xi32>
    %and3A_203 = arith.andi %eq3A_201, %lt3A_202 : vector<16xi1>
    %or3A_204 = arith.ori %gt3A_200, %and3A_203 : vector<16xi1>
    %select_n3A_205 = arith.select %or3A_204, %gather3A_196, %select_n3A_189 : vector<16xi1>, vector<16xf32>
    %select_n3A_206 = arith.select %or3A_204, %gather3A_199, %select_n3A_190 : vector<16xi1>, vector<16xi32>
    %swap3A_207 = arith.constant 0 : index
    %swap3A_208 = tpu.vector_load %arg14[%swap3A_207] {strides = array<i32>} : memref<16xi32, #tpu.memory_space<vmem>>, vector<16xi32>,
    %swap3A_209 = vector.shape_cast %swap3A_208 : vector<16xi32> to vector<16xi32>
    %swap3A_210 = vector.shape_cast %select_n3A_206 : vector<16xi32> to vector<16xi32>
    tpu.vector_store %arg14[%swap3A_207], %swap3A_210 {strides = array<i32>} : memref<16xi32, #tpu.memory_space<vmem>>, vector<16xi32>,
    %scan3A_211 = arith.constant 0 : i32
    %scan3A_212 = arith.constant 0 : i32
    %scan3A_213 = arith.constant 64 : i32
    %scan3A_214 = arith.addi %scan3A_212, %scan3A_213 : i32
    %scan3A_215 = arith.constant 8 : i32
    %scan3A_216 = scf.for %scan3A_230 = %scan3A_212 to %scan3A_214 step %scan3A_215 iter_args(%scan3A_231 = %scan3A_211) -> (i32)  : i32 {
      %mul3A_232 = arith.constant 16 : i32
      %mul3A_233 = arith.muli %scan3A_230, %mul3A_232 : i32
      %add3A_234 = arith.addi %mul3A_29, %mul3A_233 : i32
      %broadcast_in_dim3A_235 = vector.broadcast %add3A_234 : i32 to vector<16xi32>
      %add3A_236 = arith.addi %broadcast_in_dim3A_235, %iota3A : vector<16xi32>
      %get3A_237 = arith.constant 0 : index
      %get3A_238 = tpu.vector_load %arg14[%get3A_237] {strides = array<i32>} : memref<16xi32, #tpu.memory_space<vmem>>, vector<16xi32>,
      %get3A_239 = vector.shape_cast %get3A_238 : vector<16xi32> to vector<16xi32>
      %eq3A_240 = arith.cmpi eq, %add3A_236, %get3A_239 : vector<16xi32>
      %select_n3A_241 = arith.select %eq3A_240, %broadcast_in_dim3A_46, %broadcast_in_dim3A_44 : vector<16xi1>, vector<16xi32>
      %mul3A_242 = arith.constant 16 : i32
      %mul3A_243 = arith.muli %scan3A_230, %mul3A_242 : i32
      %swap3A_244 = arith.index_cast %mul3A_243 : i32 to index
      %swap3A_245 = tpu.vector_load %arg9[%swap3A_244] {strides = array<i32>} : memref<1024xi32, #tpu.memory_space<vmem>>, vector<16xi32>,
      %swap3A_246 = vector.shape_cast %swap3A_245 : vector<16xi32> to vector<16xi32>
      %swap3A_247 = vector.shape_cast %select_n3A_241 : vector<16xi32> to vector<16xi32>
      tpu.vector_store %arg9[%swap3A_244], %swap3A_247 {strides = array<i32>} : memref<1024xi32, #tpu.memory_space<vmem>>, vector<16xi32>,
      %scan3A_248 = arith.constant 0 : i32
      %scan3A_249 = arith.constant 1 : i32
      %scan3A_250 = arith.addi %scan3A_230, %scan3A_249 : i32
      %mul3A_251 = arith.constant 16 : i32
      %mul3A_252 = arith.muli %scan3A_250, %mul3A_251 : i32
      %add3A_253 = arith.addi %mul3A_29, %mul3A_252 : i32
      %broadcast_in_dim3A_254 = vector.broadcast %add3A_253 : i32 to vector<16xi32>
      %add3A_255 = arith.addi %broadcast_in_dim3A_254, %iota3A : vector<16xi32>
      %get3A_256 = arith.constant 0 : index
      %get3A_257 = tpu.vector_load %arg14[%get3A_256] {strides = array<i32>} : memref<16xi32, #tpu.memory_space<vmem>>, vector<16xi32>,
      %get3A_258 = vector.shape_cast %get3A_257 : vector<16xi32> to vector<16xi32>
      %eq3A_259 = arith.cmpi eq, %add3A_255, %get3A_258 : vector<16xi32>
      %select_n3A_260 = arith.select %eq3A_259, %broadcast_in_dim3A_46, %broadcast_in_dim3A_44 : vector<16xi1>, vector<16xi32>
      %mul3A_261 = arith.constant 16 : i32
      %mul3A_262 = arith.muli %scan3A_250, %mul3A_261 : i32
      %swap3A_263 = arith.index_cast %mul3A_262 : i32 to index
      %swap3A_264 = tpu.vector_load %arg9[%swap3A_263] {strides = array<i32>} : memref<1024xi32, #tpu.memory_space<vmem>>, vector<16xi32>,
      %swap3A_265 = vector.shape_cast %swap3A_264 : vector<16xi32> to vector<16xi32>
      %swap3A_266 = vector.shape_cast %select_n3A_260 : vector<16xi32> to vector<16xi32>
      tpu.vector_store %arg9[%swap3A_263], %swap3A_266 {strides = array<i32>} : memref<1024xi32, #tpu.memory_space<vmem>>, vector<16xi32>,
      %scan3A_267 = arith.constant 0 : i32
      %scan3A_268 = arith.constant 2 : i32
      %scan3A_269 = arith.addi %scan3A_230, %scan3A_268 : i32
      %mul3A_270 = arith.constant 16 : i32
      %mul3A_271 = arith.muli %scan3A_269, %mul3A_270 : i32
      %add3A_272 = arith.addi %mul3A_29, %mul3A_271 : i32
      %broadcast_in_dim3A_273 = vector.broadcast %add3A_272 : i32 to vector<16xi32>
      %add3A_274 = arith.addi %broadcast_in_dim3A_273, %iota3A : vector<16xi32>
      %get3A_275 = arith.constant 0 : index
      %get3A_276 = tpu.vector_load %arg14[%get3A_275] {strides = array<i32>} : memref<16xi32, #tpu.memory_space<vmem>>, vector<16xi32>,
      %get3A_277 = vector.shape_cast %get3A_276 : vector<16xi32> to vector<16xi32>
      %eq3A_278 = arith.cmpi eq, %add3A_274, %get3A_277 : vector<16xi32>
      %select_n3A_279 = arith.select %eq3A_278, %broadcast_in_dim3A_46, %broadcast_in_dim3A_44 : vector<16xi1>, vector<16xi32>
      %mul3A_280 = arith.constant 16 : i32
      %mul3A_281 = arith.muli %scan3A_269, %mul3A_280 : i32
      %swap3A_282 = arith.index_cast %mul3A_281 : i32 to index
      %swap3A_283 = tpu.vector_load %arg9[%swap3A_282] {strides = array<i32>} : memref<1024xi32, #tpu.memory_space<vmem>>, vector<16xi32>,
      %swap3A_284 = vector.shape_cast %swap3A_283 : vector<16xi32> to vector<16xi32>
      %swap3A_285 = vector.shape_cast %select_n3A_279 : vector<16xi32> to vector<16xi32>
      tpu.vector_store %arg9[%swap3A_282], %swap3A_285 {strides = array<i32>} : memref<1024xi32, #tpu.memory_space<vmem>>, vector<16xi32>,
      %scan3A_286 = arith.constant 0 : i32
      %scan3A_287 = arith.constant 3 : i32
      %scan3A_288 = arith.addi %scan3A_230, %scan3A_287 : i32
      %mul3A_289 = arith.constant 16 : i32
      %mul3A_290 = arith.muli %scan3A_288, %mul3A_289 : i32
      %add3A_291 = arith.addi %mul3A_29, %mul3A_290 : i32
      %broadcast_in_dim3A_292 = vector.broadcast %add3A_291 : i32 to vector<16xi32>
      %add3A_293 = arith.addi %broadcast_in_dim3A_292, %iota3A : vector<16xi32>
      %get3A_294 = arith.constant 0 : index
      %get3A_295 = tpu.vector_load %arg14[%get3A_294] {strides = array<i32>} : memref<16xi32, #tpu.memory_space<vmem>>, vector<16xi32>,
      %get3A_296 = vector.shape_cast %get3A_295 : vector<16xi32> to vector<16xi32>
      %eq3A_297 = arith.cmpi eq, %add3A_293, %get3A_296 : vector<16xi32>
      %select_n3A_298 = arith.select %eq3A_297, %broadcast_in_dim3A_46, %broadcast_in_dim3A_44 : vector<16xi1>, vector<16xi32>
      %mul3A_299 = arith.constant 16 : i32
      %mul3A_300 = arith.muli %scan3A_288, %mul3A_299 : i32
      %swap3A_301 = arith.index_cast %mul3A_300 : i32 to index
      %swap3A_302 = tpu.vector_load %arg9[%swap3A_301] {strides = array<i32>} : memref<1024xi32, #tpu.memory_space<vmem>>, vector<16xi32>,
      %swap3A_303 = vector.shape_cast %swap3A_302 : vector<16xi32> to vector<16xi32>
      %swap3A_304 = vector.shape_cast %select_n3A_298 : vector<16xi32> to vector<16xi32>
      tpu.vector_store %arg9[%swap3A_301], %swap3A_304 {strides = array<i32>} : memref<1024xi32, #tpu.memory_space<vmem>>, vector<16xi32>,
      %scan3A_305 = arith.constant 0 : i32
      %scan3A_306 = arith.constant 4 : i32
      %scan3A_307 = arith.addi %scan3A_230, %scan3A_306 : i32
      %mul3A_308 = arith.constant 16 : i32
      %mul3A_309 = arith.muli %scan3A_307, %mul3A_308 : i32
      %add3A_310 = arith.addi %mul3A_29, %mul3A_309 : i32
      %broadcast_in_dim3A_311 = vector.broadcast %add3A_310 : i32 to vector<16xi32>
      %add3A_312 = arith.addi %broadcast_in_dim3A_311, %iota3A : vector<16xi32>
      %get3A_313 = arith.constant 0 : index
      %get3A_314 = tpu.vector_load %arg14[%get3A_313] {strides = array<i32>} : memref<16xi32, #tpu.memory_space<vmem>>, vector<16xi32>,
      %get3A_315 = vector.shape_cast %get3A_314 : vector<16xi32> to vector<16xi32>
      %eq3A_316 = arith.cmpi eq, %add3A_312, %get3A_315 : vector<16xi32>
      %select_n3A_317 = arith.select %eq3A_316, %broadcast_in_dim3A_46, %broadcast_in_dim3A_44 : vector<16xi1>, vector<16xi32>
      %mul3A_318 = arith.constant 16 : i32
      %mul3A_319 = arith.muli %scan3A_307, %mul3A_318 : i32
      %swap3A_320 = arith.index_cast %mul3A_319 : i32 to index
      %swap3A_321 = tpu.vector_load %arg9[%swap3A_320] {strides = array<i32>} : memref<1024xi32, #tpu.memory_space<vmem>>, vector<16xi32>,
      %swap3A_322 = vector.shape_cast %swap3A_321 : vector<16xi32> to vector<16xi32>
      %swap3A_323 = vector.shape_cast %select_n3A_317 : vector<16xi32> to vector<16xi32>
      tpu.vector_store %arg9[%swap3A_320], %swap3A_323 {strides = array<i32>} : memref<1024xi32, #tpu.memory_space<vmem>>, vector<16xi32>,
      %scan3A_324 = arith.constant 0 : i32
      %scan3A_325 = arith.constant 5 : i32
      %scan3A_326 = arith.addi %scan3A_230, %scan3A_325 : i32
      %mul3A_327 = arith.constant 16 : i32
      %mul3A_328 = arith.muli %scan3A_326, %mul3A_327 : i32
      %add3A_329 = arith.addi %mul3A_29, %mul3A_328 : i32
      %broadcast_in_dim3A_330 = vector.broadcast %add3A_329 : i32 to vector<16xi32>
      %add3A_331 = arith.addi %broadcast_in_dim3A_330, %iota3A : vector<16xi32>
      %get3A_332 = arith.constant 0 : index
      %get3A_333 = tpu.vector_load %arg14[%get3A_332] {strides = array<i32>} : memref<16xi32, #tpu.memory_space<vmem>>, vector<16xi32>,
      %get3A_334 = vector.shape_cast %get3A_333 : vector<16xi32> to vector<16xi32>
      %eq3A_335 = arith.cmpi eq, %add3A_331, %get3A_334 : vector<16xi32>
      %select_n3A_336 = arith.select %eq3A_335, %broadcast_in_dim3A_46, %broadcast_in_dim3A_44 : vector<16xi1>, vector<16xi32>
      %mul3A_337 = arith.constant 16 : i32
      %mul3A_338 = arith.muli %scan3A_326, %mul3A_337 : i32
      %swap3A_339 = arith.index_cast %mul3A_338 : i32 to index
      %swap3A_340 = tpu.vector_load %arg9[%swap3A_339] {strides = array<i32>} : memref<1024xi32, #tpu.memory_space<vmem>>, vector<16xi32>,
      %swap3A_341 = vector.shape_cast %swap3A_340 : vector<16xi32> to vector<16xi32>
      %swap3A_342 = vector.shape_cast %select_n3A_336 : vector<16xi32> to vector<16xi32>
      tpu.vector_store %arg9[%swap3A_339], %swap3A_342 {strides = array<i32>} : memref<1024xi32, #tpu.memory_space<vmem>>, vector<16xi32>,
      %scan3A_343 = arith.constant 0 : i32
      %scan3A_344 = arith.constant 6 : i32
      %scan3A_345 = arith.addi %scan3A_230, %scan3A_344 : i32
      %mul3A_346 = arith.constant 16 : i32
      %mul3A_347 = arith.muli %scan3A_345, %mul3A_346 : i32
      %add3A_348 = arith.addi %mul3A_29, %mul3A_347 : i32
      %broadcast_in_dim3A_349 = vector.broadcast %add3A_348 : i32 to vector<16xi32>
      %add3A_350 = arith.addi %broadcast_in_dim3A_349, %iota3A : vector<16xi32>
      %get3A_351 = arith.constant 0 : index
      %get3A_352 = tpu.vector_load %arg14[%get3A_351] {strides = array<i32>} : memref<16xi32, #tpu.memory_space<vmem>>, vector<16xi32>,
      %get3A_353 = vector.shape_cast %get3A_352 : vector<16xi32> to vector<16xi32>
      %eq3A_354 = arith.cmpi eq, %add3A_350, %get3A_353 : vector<16xi32>
      %select_n3A_355 = arith.select %eq3A_354, %broadcast_in_dim3A_46, %broadcast_in_dim3A_44 : vector<16xi1>, vector<16xi32>
      %mul3A_356 = arith.constant 16 : i32
      %mul3A_357 = arith.muli %scan3A_345, %mul3A_356 : i32
      %swap3A_358 = arith.index_cast %mul3A_357 : i32 to index
      %swap3A_359 = tpu.vector_load %arg9[%swap3A_358] {strides = array<i32>} : memref<1024xi32, #tpu.memory_space<vmem>>, vector<16xi32>,
      %swap3A_360 = vector.shape_cast %swap3A_359 : vector<16xi32> to vector<16xi32>
      %swap3A_361 = vector.shape_cast %select_n3A_355 : vector<16xi32> to vector<16xi32>
      tpu.vector_store %arg9[%swap3A_358], %swap3A_361 {strides = array<i32>} : memref<1024xi32, #tpu.memory_space<vmem>>, vector<16xi32>,
      %scan3A_362 = arith.constant 0 : i32
      %scan3A_363 = arith.constant 7 : i32
      %scan3A_364 = arith.addi %scan3A_230, %scan3A_363 : i32
      %mul3A_365 = arith.constant 16 : i32
      %mul3A_366 = arith.muli %scan3A_364, %mul3A_365 : i32
      %add3A_367 = arith.addi %mul3A_29, %mul3A_366 : i32
      %broadcast_in_dim3A_368 = vector.broadcast %add3A_367 : i32 to vector<16xi32>
      %add3A_369 = arith.addi %broadcast_in_dim3A_368, %iota3A : vector<16xi32>
      %get3A_370 = arith.constant 0 : index
      %get3A_371 = tpu.vector_load %arg14[%get3A_370] {strides = array<i32>} : memref<16xi32, #tpu.memory_space<vmem>>, vector<16xi32>,
      %get3A_372 = vector.shape_cast %get3A_371 : vector<16xi32> to vector<16xi32>
      %eq3A_373 = arith.cmpi eq, %add3A_369, %get3A_372 : vector<16xi32>
      %select_n3A_374 = arith.select %eq3A_373, %broadcast_in_dim3A_46, %broadcast_in_dim3A_44 : vector<16xi1>, vector<16xi32>
      %mul3A_375 = arith.constant 16 : i32
      %mul3A_376 = arith.muli %scan3A_364, %mul3A_375 : i32
      %swap3A_377 = arith.index_cast %mul3A_376 : i32 to index
      %swap3A_378 = tpu.vector_load %arg9[%swap3A_377] {strides = array<i32>} : memref<1024xi32, #tpu.memory_space<vmem>>, vector<16xi32>,
      %swap3A_379 = vector.shape_cast %swap3A_378 : vector<16xi32> to vector<16xi32>
      %swap3A_380 = vector.shape_cast %select_n3A_374 : vector<16xi32> to vector<16xi32>
      tpu.vector_store %arg9[%swap3A_377], %swap3A_380 {strides = array<i32>} : memref<1024xi32, #tpu.memory_space<vmem>>, vector<16xi32>,
      %scan3A_381 = arith.constant 0 : i32
      scf.yield %scan3A_381 : i32
    }
    %scan3A_217 = arith.constant 64 : i32
    %dma_start3A_218 = tpu.memref_slice %arg5[%select_n3A, %mul3A_29] : memref<4x4096xi32, #tpu.memory_space<hbm>> -> memref<1x1024xi32, #tpu.memory_space<hbm>>
    %dma_start3A_219 = tpu.memref_squeeze %dma_start3A_218 : memref<1x1024xi32, #tpu.memory_space<hbm>> -> memref<1024xi32, #tpu.memory_space<hbm>>
    %dma_start3A_220 = tpu.memref_slice %arg5[%select_n3A, %mul3A_29] : memref<4x4096xi32, #tpu.memory_space<hbm>> -> memref<1x1024xi32, #tpu.memory_space<hbm>>
    %dma_start3A_221 = tpu.memref_squeeze %dma_start3A_220 : memref<1x1024xi32, #tpu.memory_space<hbm>> -> memref<1024xi32, #tpu.memory_space<hbm>>
    tpu.enqueue_dma source(%arg9 : memref<1024xi32, #tpu.memory_space<vmem>>) target(%dma_start3A_221 : memref<1024xi32, #tpu.memory_space<hbm>>) target_semaphore(%arg18 : memref<!tpu.dma_semaphore, #tpu.memory_space<semaphore_mem>>)
    %dma_wait3A_222 = tpu.memref_slice %arg4[%select_n3A, %mul3A_29] : memref<4x4096xf32, #tpu.memory_space<hbm>> -> memref<1x1024xf32, #tpu.memory_space<hbm>>
    %dma_wait3A_223 = tpu.memref_squeeze %dma_wait3A_222 : memref<1x1024xf32, #tpu.memory_space<hbm>> -> memref<1024xf32, #tpu.memory_space<hbm>>
    %dma_wait3A_224 = tpu.memref_slice %arg4[%select_n3A, %mul3A_29] : memref<4x4096xf32, #tpu.memory_space<hbm>> -> memref<1x1024xf32, #tpu.memory_space<hbm>>
    %dma_wait3A_225 = tpu.memref_squeeze %dma_wait3A_224 : memref<1x1024xf32, #tpu.memory_space<hbm>> -> memref<1024xf32, #tpu.memory_space<hbm>>
    tpu.wait_dma2 semaphore(%arg17 : memref<!tpu.dma_semaphore, #tpu.memory_space<semaphore_mem>>) src(%arg8 : memref<1024xf32, #tpu.memory_space<vmem>>) dst(%dma_wait3A_225 : memref<1024xf32, #tpu.memory_space<hbm>>)
    %dma_wait3A_226 = tpu.memref_slice %arg5[%select_n3A, %mul3A_29] : memref<4x4096xi32, #tpu.memory_space<hbm>> -> memref<1x1024xi32, #tpu.memory_space<hbm>>
    %dma_wait3A_227 = tpu.memref_squeeze %dma_wait3A_226 : memref<1x1024xi32, #tpu.memory_space<hbm>> -> memref<1024xi32, #tpu.memory_space<hbm>>
    %dma_wait3A_228 = tpu.memref_slice %arg5[%select_n3A, %mul3A_29] : memref<4x4096xi32, #tpu.memory_space<hbm>> -> memref<1x1024xi32, #tpu.memory_space<hbm>>
    %dma_wait3A_229 = tpu.memref_squeeze %dma_wait3A_228 : memref<1x1024xi32, #tpu.memory_space<hbm>> -> memref<1024xi32, #tpu.memory_space<hbm>>
    tpu.wait_dma2 semaphore(%arg18 : memref<!tpu.dma_semaphore, #tpu.memory_space<semaphore_mem>>) src(%arg9 : memref<1024xi32, #tpu.memory_space<vmem>>) dst(%dma_wait3A_229 : memref<1024xi32, #tpu.memory_space<hbm>>)
    return
  }
}

</mosaic_0001>

<sc_bundles>
// kernel: kernel.3.cloned.1.call-start
scs
__scs_entry_jumppad:
0x0: {  	(pc) =	sbr.rel $0x88, $3  }
0x1: {  	(tag) =	ssettag $0x0;
	lr =	simm.s32 $0x1  }
0x2: {  	[smem:$0x3F9F] =	sst lr;
	_ =	strace $0xD0000000  }
0x3: {  	_ = 	snop  }
0x4: {  	_ = 	snop  }
0x5: {  	_ = 	snop  }
0x6: {  	_ = 	snop  }
0x7: {  	_ = 	snop  }
__scs_overlays_trampoline_lowered:
0x8: {  	[smem:$0x3FAE] =	sst s0  }
0x9: {  	[smem:$0x3FAF] =	sst s1  }
0xa: {  	[smem:$0x3FB0] =	sst s2  }
0xb: {  	[smem:$0x3FB1] =	sst s3  }
0xc: {  	[smem:$0x3FB2] =	sst s4  }
0xd: {  	[smem:$0x3FB3] =	sst s5  }
0xe: {  	[smem:$0x3FB4] =	sst s6  }
0xf: {  	[smem:$0x3FB5] =	sst s7  }
0x10: {  	[smem:$0x3FB6] =	sst s8  }
0x11: {  	[smem:$0x3FB7] =	sst s9;
	s0 =	simm.s32 @!p0 $0x0  }
0x12: {  	s1 =	sld [smem:$0x3F9D];
	s0 =	simm.s32 @p0 $0x1  }
0x13: {  	[smem:$0x3FB8] =	sst s0;
	s0 =	simm.s32 @!p1 $0x0  }
0x14: {  	s2 =	sld [smem:$0x3F9C];
	s0 =	simm.s32 @p1 $0x1  }
0x15: {  	[smem:$0x3FB9] =	sst s0;
	s0 =	simm.s32 @!p2 $0x0  }
0x16: {  	s3 =	sld [smem:$0x3FDB];
	s0 =	simm.s32 @p2 $0x1  }
0x17: {  	s4 =	simm.s32 $0x1BF5;
	[smem:$0x3FBB] =	sst s0  }
0x18: {  	s0 =	sld [smem:$0x3F9E];
	_ =	swait.ge [sflag:s4], $0x0  }
0x19: {  	s7 =	sld [smem:$0x3F9F]  }
0x1a: {  	s8 =	sadd.s32 $0xFFFFE003, lr  }
0x1b: {  	s9 =	sadd.s32 $0xFFFFFEF7, lr;
	s5 =	simm.s32 $0xFFFFFFFF;
	p2 =	slt.u32 s8, $0xFFFFF086  }
0x1c: {  	p1 =	slt.u32 s9, $0xF7A;
	s5 =	simm.s32 @!p2 $0x0  }
0x1d: {  	s5 =	simm.s32 @p1 $0x1;
	p0 =	seq.s32 s7, s2  }
0x1e: {  	s7 =	smul.u32 @!p0 $0xF7A, s2;
	p2 =	seq.s32 @!p0 s5, $0x0  }
0x1f: {  	s9 =	smul.u32 $0xF7A, s1;
	s8 =	simm.s32 @!p0 $0x1BF5;
	p2 =	por !p2, p0  }
0x20: {  	[sflag:s8] =	ssyncset.s32 @!p0 $0xFFFFF086;
	s6 =	sadd.s32 @!p0 s3, s7;
	s7 =	simm.s32 @!p0 $0x108  }
0x21: {  	s3 =	sadd.s32 s3, s9;
	s6 =	sadd.s32 @!p0 $0x88, s6;
	s7 =	simm.s32 @p2 $0x1082  }
0x22: {  	[simem:s7], [sflag:s8] =	dma.local @!p0 [hbm:s6], $0xF7A  }
0x23: {  	s9 =	sor.u32 $0xD0000000, s2;
	s6 =	simm.s32 $0x108;
	_ =	swait.ge @!p0 [sflag:s8], $0x0  }
0x24: {  	s3 =	sadd.s32 $0x88, s3;
	s6 =	simm.s32 @!p1 $0x1082;
	[sflag:s4] =	ssyncset.s32 $0xFFFFF086  }
0x25: {  	[simem:s6], [sflag:s4] =	dma.local [hbm:s3], $0xF7A  }
0x26: {  	[smem:$0x3F9F] =	sst s1;
	(tag) =	ssettag s2;
	_ =	strace s9  }
0x27: {  	s1 =	sld [smem:$0x3FAF]  }
0x28: {  	s2 =	sld [smem:$0x3FB0]  }
0x29: {  	s4 =	sld [smem:$0x3FB2]  }
0x2a: {  	p0 =	seq.s32 s5, $0x0;
	s5 =	sld [smem:$0x3FB3]  }
0x2b: {  	s6 =	sld [smem:$0x3FB4]  }
0x2c: {  	s7 =	sld [smem:$0x3FB5]  }
0x2d: {  	s3 =	simm.s32 $0x108;
	s8 =	sld [smem:$0x3FB6]  }
0x2e: {  	s3 =	simm.s32 @!p0 $0x1082;
	s9 =	sld [smem:$0x3FB7]  }
0x2f: {  	lr =	sadd.s32 s0, s3;
	s0 =	sld [smem:$0x3FAE]  }
0x30: {  	s3 =	sld [smem:$0x3FB1]  }
0x31: {  	[smem:$0x3FBA] =	sst s10  }
0x32: {  	s10 =	sld [smem:$0x3FB8];
	_ =	sdelay $0x3  }
0x33: {  	p0 =	seq.s32 s10, $0x1;
	s10 =	sld [smem:$0x3FBA];
	_ =	sdelay $0x3  }
0x34: {  	[smem:$0x3FBA] =	sst s10  }
0x35: {  	s10 =	sld [smem:$0x3FB9];
	_ =	sdelay $0x3  }
0x36: {  	p1 =	seq.s32 s10, $0x1;
	s10 =	sld [smem:$0x3FBA];
	_ =	sdelay $0x3  }
0x37: {  	[smem:$0x3FBA] =	sst s10  }
0x38: {  	s10 =	sld [smem:$0x3FBB]  }
0x39: {  	_ = 	snop;
	(pc) =	sbr.ind lr, $3  }
0x3a: {  	_ = 	snop  }
0x3b: {  	_ = 	snop  }
0x3c: {  	p2 =	seq.s32 s10, $0x1;
	s10 =	sld [smem:$0x3FBA]  }
0x3d: {  	_ =	shalt  }
0x3e: {  	_ =	shalt  }
0x3f: {  	_ =	shalt  }
0x40: {  	_ =	shalt  }
0x41: {  	_ =	shalt  }
0x42: {  	_ =	shalt  }
0x43: {  	_ =	shalt  }
0x44: {  	_ =	shalt  }
0x45: {  	_ =	shalt  }
0x46: {  	_ =	shalt  }
0x47: {  	_ =	shalt  }
0x48: {  	_ =	shalt  }
0x49: {  	_ =	shalt  }
0x4a: {  	_ =	shalt  }
0x4b: {  	_ =	shalt  }
0x4c: {  	_ =	shalt  }
0x4d: {  	_ =	shalt  }
0x4e: {  	_ =	shalt  }
0x4f: {  	_ =	shalt  }
0x50: {  	_ =	shalt  }
0x51: {  	_ =	shalt  }
0x52: {  	_ =	shalt  }
0x53: {  	_ =	shalt  }
0x54: {  	_ =	shalt  }
0x55: {  	_ =	shalt  }
0x56: {  	_ =	shalt  }
0x57: {  	_ =	shalt  }
0x58: {  	_ =	shalt  }
0x59: {  	_ =	shalt  }
0x5a: {  	_ =	shalt  }
0x5b: {  	_ =	shalt  }
0x5c: {  	_ =	shalt  }
0x5d: {  	_ =	shalt  }
0x5e: {  	_ =	shalt  }
0x5f: {  	_ =	shalt  }
0x60: {  	_ =	shalt  }
0x61: {  	_ =	shalt  }
0x62: {  	_ =	shalt  }
0x63: {  	_ =	shalt  }
0x64: {  	_ =	shalt  }
0x65: {  	_ =	shalt  }
0x66: {  	_ =	shalt  }
0x67: {  	_ =	shalt  }
0x68: {  	_ =	shalt  }
0x69: {  	_ =	shalt  }
0x6a: {  	_ =	shalt  }
0x6b: {  	_ =	shalt  }
0x6c: {  	_ =	shalt  }
0x6d: {  	_ =	shalt  }
0x6e: {  	_ =	shalt  }
0x6f: {  	_ =	shalt  }
0x70: {  	_ =	shalt  }
0x71: {  	_ =	shalt  }
0x72: {  	_ =	shalt  }
0x73: {  	_ =	shalt  }
0x74: {  	_ =	shalt  }
0x75: {  	_ =	shalt  }
0x76: {  	_ =	shalt  }
0x77: {  	_ =	shalt  }
0x78: {  	_ =	shalt  }
0x79: {  	_ =	shalt  }
0x7a: {  	_ =	shalt  }
0x7b: {  	_ =	shalt  }
0x7c: {  	_ =	shalt  }
0x7d: {  	_ =	shalt  }
0x7e: {  	_ =	shalt  }
0x7f: {  	_ =	shalt  }
0x80: {  	_ =	shalt  }
0x81: {  	_ =	shalt  }
0x82: {  	_ =	shalt  }
0x83: {  	_ =	shalt  }
0x84: {  	_ =	shalt  }
0x85: {  	_ =	shalt  }
0x86: {  	_ =	shalt  }
0x87: {  	_ =	shalt  }
.Lfunc_end0:
.L_simem_size_0:
called_computation_lowered:
.L_overlay_start_0:
0x88: {  	s0 =	sld [smem:$0x3FD9]  }
0x89: {  	s1 =	sld [smem:$0x3FFE];
	_ =	sdelay $0x3  }
0x8a: {  	s0 =	sadd.s32 s1, s0  }
0x8b: {  	[smem:$0x3FC6] =	sst s0  }
0x8c: {  	_ = 	snop  }
0x8d: {  	s0 =	sld [smem:$0x3FD0];
	_ =	sdelay $0x1  }
0x8e: {  	s14 =	sld [smem:$0x3FC9]  }
0x8f: {  	s3 =	simm.s32 $0xA;
	s4 =	simm.s32 $0x10;
	s2 =	sld [smem:$0x3FC8]  }
0x90: {  	[smem:s4], [sflag:s3] =	dma.local [hbm:s0], $0x1  }
0x91: {  	_ =	swait.eq [sflag:s3], $0x1  }
0x92: {  	[sflag:s3] =	ssyncset.done $0x0  }
0x93: {  	s15 =	sld [smem:$0x10];
	[sflag:s3] =	ssyncadd.s32 $0xFFFFFFFF  }
0x94: {  	s16 =	sld [smem:$0x11];
	(tm) =	ssettm $0x1  }
0x95: {  	s17 =	sld [smem:$0x3FFB];
	_ =	sdelay $0x3  }
0x96: {  	_ =	strace s17  }
0x97: {  	s4 =	sld [smem:$0x3FFC];
	_ =	sdelay $0x3  }
0x98: {  	_ =	strace s4  }
0x99: {  	s4 =	sld [smem:$0x3FFD];
	_ =	sdelay $0x3  }
0x9a: {  	_ =	strace s4  }
0x9b: {  	_ =	strace $0x8FFFFFFF  }
0x9c: {  	s18 =	sld [smem:$0x3FDB];
	_ =	sdelay $0x1  }
0x9d: {  	s5 =	simm.s32 $_scs_section_size  }
0x9e: {  	s6 =	simm.s32 $_size__tile_overlayer_lowered;
	s7 =	simm.s32 $_tile_overlayer_lowered  }
0x9f: {  	s21 =	simm.s32 $0x1BFF;
	s20 =	sshll.u32 s7, $0x1;
	s4 =	sadd.s32 s5, s18  }
0xa0: {  	s8 =	simm.s32 $0x0;
	s19 =	sshll.u32 s6, $0x1;
	s6 =	sadd.s32 s20, s4  }
0xa1: {  	[timem:s8], [sflag:s21] =	dma.local [hbm:s6], s19  }
0xa2: {  	_ =	swait.ge [sflag:s21], s19  }
0xa3: {  	s5 =	ssub.s32 $0x0, s19;
	[sflag:s21] =	ssyncset.done $0x0  }
0xa4: {  	[sflag:s21] =	ssyncadd.s32 s5;
	_ =	sdelay $0x1  }
0xa5: {  	s22 =	simm.s32 $0x1B8B  }
0xa6: {  	_ =	swait.ge [sflag:s22], $0x1  }
0xa7: {  	[sflag:s22] =	ssyncset.done $0x0  }
0xa8: {  	s23 =	simm.s32 $0x1B8E;
	[sflag:s22] =	ssyncadd.s32 $0xFFFFFFFF  }
0xa9: {  	s24 =	simm.s32 $execute0_lowered;
	[smem:$0x3FD2] =	sst s23  }
0xaa: {  	s5 =	sshll.u32 s24, $0x1;
	_ =	strace $0x80000046;
	[dreg:$0x1] =	wrdreg $0xFFFFFFFF  }
0xab: {  	s25 =	simm.s32 $_size_execute0_lowered;
	s4 =	sadd.s32 s4, s5;
	[dreg:$0x0] =	wrdreg $0x0  }
0xac: {  	s5 =	sshll.u32 s25, $0x1;
	[dreg:$0x2] =	wrdreg s4  }
0xad: {  	[dreg:$0x3] =	wrdreg s5  }
0xae: {  	[dreg:$0x4] =	wrdreg $0xC0  }
0xaf: {  	_ =	task [dreg:s8], $0x5FFFF  }
0xb0: {  	[dreg:$0x1] =	wrdreg $0xFFFFFFFF  }
0xb1: {  	[dreg:$0x0] =	wrdreg $0x60  }
0xb2: {  	[dreg:$0x2] =	wrdreg s14  }
0xb3: {  	[dreg:$0x3] =	wrdreg s2  }
0xb4: {  	[dreg:$0x4] =	wrdreg s15  }
0xb5: {  	[dreg:$0x5] =	wrdreg s16  }
0xb6: {  	[dreg:$0x6] =	wrdreg $0x12800  }
0xb7: {  	[dreg:$0x7] =	wrdreg $0x12900  }
0xb8: {  	[dreg:$0x8] =	wrdreg $0x9  }
0xb9: {  	_ =	task.clear_ibuf [dreg:s8], $0x9FFFF;
	_ =	strace $0x90000046  }
0xba: {  	s26 =	simm.s32 $0x9;
	_ =	strace $0x80000048  }
0xbb: {  	_ =	swait.ge [sflag:s26], $0x1  }
0xbc: {  	[sflag:s26] =	ssyncadd.s32 $0xFFFFFFFF  }
0xbd: {  	_ =	strace $0x90000048  }
0xbe: {  	_ =	sfence  }
0xbf: {  	s28 =	sld [smem:$0x0];
	_ =	sdelay $0x1  }
0xc0: {  	s29 =	srdreg.scid  }
0xc1: {  	s30 =	sshll.u32 s29, $0xD;
	s31 =	sshrl.u32 s29, $0x2  }
0xc2: {  	s1 =	sand.u32 $0x1, s29;
	s2 =	sand.u32 $0x4000, s30;
	s0 =	sadd.s32 s31, s28  }
0xc3: {  	s1 =	sor.u32 s2, s1;
	s0 =	sshll.u32 s0, $0x11  }
0xc4: {  	s0 =	sor.u32 s0, s1  }
0xc5: {  	s0 =	sadd.s32 $0x8F2B, s0  }
0xc6: {  	[sflag:s0] =	ssyncadd.remote.s32 $0x1  }
0xc7: {  	_ =	sfence.sel $0xFFFF  }
0xc8: {  	[dreg:$0x0] =	wrdreg $0xFFFFFFFF;
	(pc) =	sbr.abs _section_cstart, $3  }
0xc9: {  	[dreg:$0x1] =	wrdreg $0xFFFFFFFF  }
0xca: {  	_ =	task.clear_ibuf [dreg:s8], $0x2FFFF;
	_ =	strace $0x9FFFFFFF  }
0xcb: {  	(tm) =	ssettm $0x7FFFFFFF  }
tec
execute0_lowered:
.L_overlay_start_1:
0x0: {  	(tag) =	ssettag $0x1  }
0x1: {  	s9 =	rddreg [dreg:$0x0]  }
0x2: {  	s10 =	rddreg [dreg:$0x1]  }
0x3: {  	s7 =	rddreg [dreg:$0x2]  }
0x4: {  	s2 =	rddreg [dreg:$0x3]  }
0x5: {  	s5 =	rddreg [dreg:$0x4]  }
0x6: {  	s4 =	rddreg [dreg:$0x5];
	s1 =	stileid.u32  }
0x7: {  	s0 =	rddreg [dreg:$0x6];
	s6 =	sshrl.u32 s1, $0x2;
	s8 =	sand.u32 $0x3, s1  }
0x8: {  	s11 =	simm.s32 $0x0;
	s3 =	sshll.u32 s8, $0x9;
	s12 =	sshll.u32 s6, $0x4  }
0x9: {  	s24 =	simm.s32 $0x80;
	[smem:$0x7FF] =	sst s11;
	s3 =	sor.u32 s12, s3  }
0xa: {  	s13 =	simm.s32 $0x200;
	_ =	strace $0x80000047;
	s9 =	sadd.s32 s9, s3  }
0xb: {  	[tilespmem:s11], [sflag:$0x1] =	stream.strided.gather [hbm4b:s9+s24], $0x400, s13, s24, $0x38;
	[tilespmem:$0x12A0] =	vst v63  }
0xc: {  	s26 =	simm.s32 $0x400;
	s28 =	simm.s32 $0x1;
	s25 =	sadd.s32 s10, s3  }
0xd: {  	[tilespmem:s26], [sflag:$0x2] =	stream.strided.gather [hbm4b:s25+s24], $0x400, s13, s24, $0x38;
	[tilespmem:$0x12A0] =	vst v63  }
0xe: {  	_ =	swait.ge [sflag:s28], $0x400  }
0xf: {  	[sflag:s28] =	ssyncset.done $0x0  }
0x10: {  	s29 =	simm.s32 $0x2;
	[sflag:s28] =	ssyncadd.s32 $0xFFFFFC00  }
0x11: {  	_ =	swait.ge [sflag:s29], $0x400  }
0x12: {  	[sflag:s29] =	ssyncset.done $0x0  }
0x13: {  	s30 =	simm.s32 $0x440;
	[sflag:s29] =	ssyncadd.s32 $0xFFFFFC00  }
0x14: {  	v0 =	vld [tilespmem:s30+$0xFFFFFFC0]  }
0x15: {  	s9 =	simm.s32 $0x40  }
0x16: {  	v1 =	vld [tilespmem:s9+$0xFFFFFFC0];
	_ =	sdelay $0x2  }
0x17: {  	v2 =	vsub.f32 $1.000000000e+00, v0;
	_ =	sdelay $0x1  }
0x18: {  	v0 =	vmul.f32 $1.000000020e+30, v0;
	v1 =	vmul.f32 v2, v1;
	_ =	sdelay $0x1  }
0x19: {  	v0 =	vsub.f32 v1, v0  }
0x1a: {  	s10 =	simm.s32 $0x840  }
0x1b: {  	[tilespmem:s10+$0xFFFFFFC0] =	vst v0  }
0x1c: {  	v1 =	vld [tilespmem:s30+$0xFFFFFFD0];
	_ =	sdelay $0x1  }
0x1d: {  	v2 =	vld [tilespmem:s9+$0xFFFFFFD0];
	_ =	sdelay $0x2  }
0x1e: {  	v3 =	vsub.f32 $1.000000000e+00, v1;
	_ =	sdelay $0x1  }
0x1f: {  	v1 =	vmul.f32 $1.000000020e+30, v1;
	v2 =	vmul.f32 v3, v2;
	_ =	sdelay $0x1  }
0x20: {  	v1 =	vsub.f32 v2, v1;
	_ =	sdelay $0x1  }
0x21: {  	[tilespmem:s10+$0xFFFFFFD0] =	vst v1  }
0x22: {  	v2 =	vld [tilespmem:s30+$0xFFFFFFE0];
	_ =	sdelay $0x1  }
0x23: {  	v3 =	vld [tilespmem:s9+$0xFFFFFFE0];
	_ =	sdelay $0x2  }
0x24: {  	v4 =	vsub.f32 $1.000000000e+00, v2;
	_ =	sdelay $0x1  }
0x25: {  	v2 =	vmul.f32 $1.000000020e+30, v2;
	v3 =	vmul.f32 v4, v3;
	_ =	sdelay $0x1  }
0x26: {  	v2 =	vsub.f32 v3, v2;
	_ =	sdelay $0x1  }
0x27: {  	[tilespmem:s10+$0xFFFFFFE0] =	vst v2  }
0x28: {  	v3 =	vld [tilespmem:s30+$0xFFFFFFF0];
	_ =	sdelay $0x1  }
0x29: {  	v4 =	vld [tilespmem:s9+$0xFFFFFFF0];
	_ =	sdelay $0x2  }
0x2a: {  	v5 =	vsub.f32 $1.000000000e+00, v3;
	_ =	sdelay $0x1  }
0x2b: {  	v3 =	vmul.f32 $1.000000020e+30, v3;
	v4 =	vmul.f32 v5, v4;
	_ =	sdelay $0x1  }
0x2c: {  	v3 =	vsub.f32 v4, v3;
	_ =	sdelay $0x1  }
0x2d: {  	[tilespmem:s10+$0xFFFFFFF0] =	vst v3  }
0x2e: {  	v4 =	vld [tilespmem:s30+$0x0];
	_ =	sdelay $0x1  }
0x2f: {  	v5 =	vld [tilespmem:s9+$0x0];
	_ =	sdelay $0x2  }
0x30: {  	v6 =	vsub.f32 $1.000000000e+00, v4;
	_ =	sdelay $0x1  }
0x31: {  	v4 =	vmul.f32 $1.000000020e+30, v4;
	v5 =	vmul.f32 v6, v5;
	_ =	sdelay $0x1  }
0x32: {  	v4 =	vsub.f32 v5, v4;
	_ =	sdelay $0x1  }
0x33: {  	[tilespmem:s10+$0x0] =	vst v4  }
0x34: {  	v5 =	vld [tilespmem:s30+$0x10];
	_ =	sdelay $0x1  }
0x35: {  	v6 =	vld [tilespmem:s9+$0x10];
	_ =	sdelay $0x2  }
0x36: {  	v7 =	vsub.f32 $1.000000000e+00, v5;
	_ =	sdelay $0x1  }
0x37: {  	v5 =	vmul.f32 $1.000000020e+30, v5;
	v6 =	vmul.f32 v7, v6;
	_ =	sdelay $0x1  }
0x38: {  	v5 =	vsub.f32 v6, v5;
	_ =	sdelay $0x1  }
0x39: {  	[tilespmem:s10+$0x10] =	vst v5  }
0x3a: {  	v6 =	vld [tilespmem:s30+$0x20];
	_ =	sdelay $0x1  }
0x3b: {  	v7 =	vld [tilespmem:s9+$0x20];
	_ =	sdelay $0x2  }
0x3c: {  	v8 =	vsub.f32 $1.000000000e+00, v6;
	_ =	sdelay $0x1  }
0x3d: {  	v6 =	vmul.f32 $1.000000020e+30, v6;
	v7 =	vmul.f32 v8, v7;
	_ =	sdelay $0x1  }
0x3e: {  	v6 =	vsub.f32 v7, v6;
	_ =	sdelay $0x1  }
0x3f: {  	[tilespmem:s10+$0x20] =	vst v6  }
0x40: {  	v61 =	vimm.f32 $-Inf;
	v7 =	vld [tilespmem:s30+$0x30]  }
0x41: {  	vm0 =	vgt.f32 v0, v61  }
0x42: {  	v0 =	vsel vm0, v0, v61;
	v9 =	vld [tilespmem:s9+$0x30]  }
0x43: {  	vm1 =	vgt.f32 v1, v61;
	vm2 =	vgt.f32 v2, v0  }
0x44: {  	v1 =	vsel vm1, v1, v61;
	v0 =	vsel vm2, v2, v0  }
0x45: {  	v2 =	vimm.s32 $0x0;
	vm3 =	vgt.f32 v3, v1;
	v62 =	vsub.f32 $1.000000000e+00, v7  }
0x46: {  	v63 =	vsel vm0, s11, v2;
	v3 =	vsel vm3, v3, v1;
	vm0 =	vgt.f32 v4, v0  }
0x47: {  	s31 =	simm.s32 $0x1;
	v0 =	vsel vm0, v4, v0;
	v7 =	vmul.f32 $1.000000020e+30, v7;
	v1 =	vmul.f32 v62, v9  }
0x48: {  	s14 =	simm.s32 $0x2;
	v4 =	vsel vm1, s11, v2;
	v8 =	vsel vm2, s31, v63;
	vm2 =	vgt.f32 v5, v3  }
0x49: {  	v8 =	vsel vm0, s14, v8;
	vm0 =	vgt.f32 v6, v0;
	v1 =	vsub.f32 v1, v7  }
0x4a: {  	s15 =	simm.s32 $0x3;
	v2 =	vsel vm0, v6, v0;
	v6 =	vsel vm3, s31, v4;
	v4 =	vsel vm2, v5, v3  }
0x4b: {  	s12 =	simm.s32 $0x4C0;
	s13 =	simm.s32 $0x8;
	s11 =	simm.s32 $0x4;
	v0 =	vsel vm0, s15, v8;
	v3 =	vsel vm2, s14, v6;
	[tilespmem:s10+$0x30] =	vst v1;
	vm0 =	vgt.f32 v1, v4  }
.LBB2_1:
0x4c: {  	p0 =	slt.u32 s13, $0x1C;
	v5 =	vld [tilespmem:s12+$0xFFFFFFC0];
	v4 =	vsel vm0, v1, v4;
	v1 =	vsel vm0, s15, v3;
	s9 =	sadd.s32 $0x80, s9;
	s10 =	sadd.s32 $0x80, s10  }
0x4d: {  	s14 =	smov.u32 s13;
	s13 =	sadd.s32 $0x4, s13  }
0x4e: {  	v3 =	vld [tilespmem:s9+$0xFFFFFFC0];
	_ =	sdelay $0x2  }
0x4f: {  	v6 =	vsub.f32 $1.000000000e+00, v5;
	_ =	sdelay $0x1  }
0x50: {  	v5 =	vmul.f32 $1.000000020e+30, v5;
	v3 =	vmul.f32 v6, v3;
	_ =	sdelay $0x1  }
0x51: {  	v3 =	vsub.f32 v3, v5;
	_ =	sdelay $0x1  }
0x52: {  	[tilespmem:s10+$0xFFFFFFC0] =	vst v3;
	vm1 =	vgt.f32 v3, v2  }
0x53: {  	v5 =	vld [tilespmem:s12+$0xFFFFFFD0];
	_ =	sdelay $0x1  }
0x54: {  	v6 =	vld [tilespmem:s9+$0xFFFFFFD0];
	_ =	sdelay $0x2  }
0x55: {  	v7 =	vsub.f32 $1.000000000e+00, v5;
	_ =	sdelay $0x1  }
0x56: {  	v5 =	vmul.f32 $1.000000020e+30, v5;
	v6 =	vmul.f32 v7, v6;
	_ =	sdelay $0x1  }
0x57: {  	v5 =	vsub.f32 v6, v5;
	_ =	sdelay $0x1  }
0x58: {  	[tilespmem:s10+$0xFFFFFFD0] =	vst v5;
	vm0 =	vgt.f32 v5, v4  }
0x59: {  	v6 =	vld [tilespmem:s12+$0xFFFFFFE0];
	_ =	sdelay $0x1  }
0x5a: {  	v7 =	vld [tilespmem:s9+$0xFFFFFFE0];
	_ =	sdelay $0x2  }
0x5b: {  	v8 =	vsub.f32 $1.000000000e+00, v6;
	_ =	sdelay $0x1  }
0x5c: {  	v6 =	vmul.f32 $1.000000020e+30, v6;
	v7 =	vmul.f32 v8, v7;
	_ =	sdelay $0x1  }
0x5d: {  	v6 =	vsub.f32 v7, v6  }
0x5e: {  	v2 =	vsel vm1, v3, v2  }
0x5f: {  	[tilespmem:s10+$0xFFFFFFE0] =	vst v6;
	vm3 =	vgt.f32 v6, v2  }
0x60: {  	v3 =	vld [tilespmem:s12+$0xFFFFFFF0];
	_ =	sdelay $0x1  }
0x61: {  	v7 =	vld [tilespmem:s9+$0xFFFFFFF0];
	_ =	sdelay $0x2  }
0x62: {  	v8 =	vsub.f32 $1.000000000e+00, v3;
	_ =	sdelay $0x1  }
0x63: {  	v3 =	vmul.f32 $1.000000020e+30, v3;
	v7 =	vmul.f32 v8, v7;
	_ =	sdelay $0x1  }
0x64: {  	v3 =	vsub.f32 v7, v3  }
0x65: {  	v4 =	vsel vm0, v5, v4  }
0x66: {  	[tilespmem:s10+$0xFFFFFFF0] =	vst v3;
	vm2 =	vgt.f32 v3, v4  }
0x67: {  	v5 =	vld [tilespmem:s12+$0x0];
	_ =	sdelay $0x1  }
0x68: {  	v7 =	vld [tilespmem:s9+$0x0];
	_ =	sdelay $0x2  }
0x69: {  	v8 =	vsub.f32 $1.000000000e+00, v5;
	_ =	sdelay $0x1  }
0x6a: {  	v5 =	vmul.f32 $1.000000020e+30, v5;
	v7 =	vmul.f32 v8, v7;
	_ =	sdelay $0x1  }
0x6b: {  	v5 =	vsub.f32 v7, v5  }
0x6c: {  	v2 =	vsel vm3, v6, v2  }
0x6d: {  	[tilespmem:s10+$0x0] =	vst v5;
	vm5 =	vgt.f32 v5, v2  }
0x6e: {  	v6 =	vld [tilespmem:s12+$0x10]  }
0x6f: {  	v7 =	vld [tilespmem:s9+$0x10];
	_ =	sdelay $0x3  }
0x70: {  	v8 =	vsub.f32 $1.000000000e+00, v6;
	_ =	sdelay $0x1  }
0x71: {  	v6 =	vmul.f32 $1.000000020e+30, v6;
	v7 =	vmul.f32 v8, v7;
	_ =	sdelay $0x1  }
0x72: {  	v6 =	vsub.f32 v7, v6  }
0x73: {  	v3 =	vsel vm2, v3, v4  }
0x74: {  	[tilespmem:s10+$0x10] =	vst v6;
	vm4 =	vgt.f32 v6, v3  }
0x75: {  	v4 =	vld [tilespmem:s12+$0x20]  }
0x76: {  	v7 =	vld [tilespmem:s9+$0x20];
	_ =	sdelay $0x3  }
0x77: {  	v8 =	vsub.f32 $1.000000000e+00, v4;
	_ =	sdelay $0x1  }
0x78: {  	v4 =	vmul.f32 $1.000000020e+30, v4;
	v7 =	vmul.f32 v8, v7;
	_ =	sdelay $0x1  }
0x79: {  	s16 =	sadd.s32 $0x1, s11;
	v0 =	vsel vm1, s11, v0;
	v4 =	vsub.f32 v7, v4  }
0x7a: {  	s17 =	sadd.s32 $0x2, s11;
	v0 =	vsel vm3, s16, v0;
	v2 =	vsel vm5, v5, v2  }
0x7b: {  	s15 =	sadd.s32 $0x3, s11;
	v0 =	vsel vm5, s17, v0;
	[tilespmem:s10+$0x20] =	vst v4;
	vm1 =	vgt.f32 v4, v2  }
0x7c: {  	v5 =	vld [tilespmem:s12+$0x30];
	v2 =	vsel vm1, v4, v2;
	v0 =	vsel vm1, s15, v0  }
0x7d: {  	v4 =	vld [tilespmem:s9+$0x30];
	_ =	sdelay $0x3  }
0x7e: {  	v7 =	vsub.f32 $1.000000000e+00, v5;
	_ =	sdelay $0x1  }
.Ltmp0:
0x7f: {  	v5 =	vmul.f32 $1.000000020e+30, v5;
	v4 =	vmul.f32 v7, v4;
	(pc) =	sbr.rel @p0 .LBB2_1-.Ltmp0, $4  }
0x80: {  	_ = 	snop  }
0x81: {  	v7 =	vsel vm0, s11, v1;
	s11 =	smov.u32 s14;
	v1 =	vsub.f32 v4, v5  }
0x82: {  	v5 =	vsel vm2, s16, v7;
	v4 =	vsel vm4, v6, v3  }
0x83: {  	s12 =	sadd.s32 $0x80, s12;
	v3 =	vsel vm4, s17, v5;
	[tilespmem:s10+$0x30] =	vst v1;
	vm0 =	vgt.f32 v1, v4  }
0x84: {  	v5 =	vld [tilespmem:s12+$0xFFFFFFC0]  }
0x85: {  	s13 =	sadd.s32 $0x80, s9  }
0x86: {  	v6 =	vld [tilespmem:s13+$0xFFFFFFC0];
	_ =	sdelay $0x2  }
0x87: {  	v7 =	vsub.f32 $1.000000000e+00, v5;
	_ =	sdelay $0x1  }
0x88: {  	v5 =	vmul.f32 $1.000000020e+30, v5;
	v6 =	vmul.f32 v7, v6;
	_ =	sdelay $0x1  }
0x89: {  	v5 =	vsub.f32 v6, v5  }
0x8a: {  	s29 =	sadd.s32 $0x80, s10  }
0x8b: {  	[tilespmem:s29+$0xFFFFFFC0] =	vst v5  }
0x8c: {  	v30 =	vld [tilespmem:s12+$0xFFFFFFD0];
	_ =	sdelay $0x1  }
0x8d: {  	v31 =	vld [tilespmem:s13+$0xFFFFFFD0];
	_ =	sdelay $0x2  }
0x8e: {  	v8 =	vsub.f32 $1.000000000e+00, v30;
	_ =	sdelay $0x1  }
0x8f: {  	v6 =	vmul.f32 $1.000000020e+30, v30;
	v7 =	vmul.f32 v8, v31;
	_ =	sdelay $0x1  }
0x90: {  	v6 =	vsub.f32 v7, v6;
	_ =	sdelay $0x1  }
0x91: {  	[tilespmem:s29+$0xFFFFFFD0] =	vst v6  }
0x92: {  	v32 =	vld [tilespmem:s12+$0xFFFFFFE0];
	_ =	sdelay $0x1  }
0x93: {  	v33 =	vld [tilespmem:s13+$0xFFFFFFE0];
	_ =	sdelay $0x2  }
0x94: {  	v9 =	vsub.f32 $1.000000000e+00, v32;
	_ =	sdelay $0x1  }
0x95: {  	v7 =	vmul.f32 $1.000000020e+30, v32;
	v8 =	vmul.f32 v9, v33;
	_ =	sdelay $0x1  }
0x96: {  	v7 =	vsub.f32 v8, v7;
	_ =	sdelay $0x1  }
0x97: {  	[tilespmem:s29+$0xFFFFFFE0] =	vst v7  }
0x98: {  	v34 =	vld [tilespmem:s12+$0xFFFFFFF0];
	_ =	sdelay $0x1  }
0x99: {  	v35 =	vld [tilespmem:s13+$0xFFFFFFF0];
	_ =	sdelay $0x2  }
0x9a: {  	v10 =	vsub.f32 $1.000000000e+00, v34;
	_ =	sdelay $0x1  }
0x9b: {  	v8 =	vmul.f32 $1.000000020e+30, v34;
	v9 =	vmul.f32 v10, v35;
	_ =	sdelay $0x1  }
0x9c: {  	v8 =	vsub.f32 v9, v8;
	_ =	sdelay $0x1  }
0x9d: {  	[tilespmem:s29+$0xFFFFFFF0] =	vst v8  }
0x9e: {  	v36 =	vld [tilespmem:s12+$0x0];
	_ =	sdelay $0x1  }
0x9f: {  	v37 =	vld [tilespmem:s13+$0x0];
	_ =	sdelay $0x2  }
0xa0: {  	v11 =	vsub.f32 $1.000000000e+00, v36;
	_ =	sdelay $0x1  }
0xa1: {  	v9 =	vmul.f32 $1.000000020e+30, v36;
	v10 =	vmul.f32 v11, v37;
	_ =	sdelay $0x1  }
0xa2: {  	v9 =	vsub.f32 v10, v9;
	_ =	sdelay $0x1  }
0xa3: {  	[tilespmem:s29+$0x0] =	vst v9  }
0xa4: {  	v38 =	vld [tilespmem:s12+$0x10];
	_ =	sdelay $0x1  }
0xa5: {  	v39 =	vld [tilespmem:s13+$0x10];
	_ =	sdelay $0x2  }
0xa6: {  	v12 =	vsub.f32 $1.000000000e+00, v38;
	_ =	sdelay $0x1  }
0xa7: {  	v10 =	vmul.f32 $1.000000020e+30, v38;
	v11 =	vmul.f32 v12, v39;
	_ =	sdelay $0x1  }
0xa8: {  	v10 =	vsub.f32 v11, v10;
	_ =	sdelay $0x1  }
0xa9: {  	[tilespmem:s29+$0x10] =	vst v10  }
0xaa: {  	v40 =	vld [tilespmem:s12+$0x20];
	_ =	sdelay $0x1  }
0xab: {  	v41 =	vld [tilespmem:s13+$0x20];
	_ =	sdelay $0x2  }
0xac: {  	v13 =	vsub.f32 $1.000000000e+00, v40;
	_ =	sdelay $0x1  }
0xad: {  	v11 =	vmul.f32 $1.000000020e+30, v40;
	v12 =	vmul.f32 v13, v41;
	_ =	sdelay $0x1  }
0xae: {  	v11 =	vsub.f32 v12, v11;
	_ =	sdelay $0x1  }
0xaf: {  	[tilespmem:s29+$0x20] =	vst v11  }
0xb0: {  	v42 =	vld [tilespmem:s12+$0x30];
	_ =	sdelay $0x1  }
0xb1: {  	v43 =	vld [tilespmem:s13+$0x30]  }
0xb2: {  	v1 =	vsel vm0, v1, v4;
	vm1 =	vgt.f32 v5, v2  }
0xb3: {  	v3 =	vsel vm0, s15, v3;
	v2 =	vsel vm1, v5, v2;
	v0 =	vsel vm1, s11, v0  }
0xb4: {  	vm2 =	vgt.f32 v6, v1;
	vm3 =	vgt.f32 v7, v2;
	v44 =	vsub.f32 $1.000000000e+00, v42  }
0xb5: {  	v1 =	vsel vm2, v6, v1;
	v3 =	vsel vm2, s11, v3;
	v2 =	vsel vm3, v7, v2  }
0xb6: {  	s30 =	sadd.s32 $0x1, s11;
	vm4 =	vgt.f32 v8, v1;
	v45 =	vmul.f32 $1.000000020e+30, v42;
	v4 =	vmul.f32 v44, v43  }
0xb7: {  	v0 =	vsel vm3, s30, v0;
	v1 =	vsel vm4, v8, v1;
	v3 =	vsel vm4, s30, v3  }
0xb8: {  	s31 =	sadd.s32 $0x2, s11;
	vm15 =	vgt.f32 v9, v2;
	vm5 =	vgt.f32 v10, v1;
	v4 =	vsub.f32 v4, v45  }
0xb9: {  	v2 =	vsel vm15, v9, v2;
	v0 =	vsel vm15, s31, v0;
	v1 =	vsel vm5, v10, v1  }
0xba: {  	s11 =	sadd.s32 $0x3, s11;
	v3 =	vsel vm5, s31, v3;
	vm6 =	vgt.f32 v11, v2;
	vm7 =	vgt.f32 v4, v1  }
0xbb: {  	v2 =	vsel vm6, v11, v2;
	v46 =	vsel vm6, s11, v0;
	v3 =	vsel vm7, s11, v3  }
0xbc: {  	s8 =	sshll.u32 s8, $0xA;
	v0 =	vlaneseq.u32;
	v5 =	vshll.u32 v46, $0x5;
	v3 =	vshll.u32 v3, $0x5  }
0xbd: {  	v47 =	vor.u32 $0x10, v0;
	v5 =	vadd.s32 s8, v5;
	v3 =	vadd.s32 s8, v3  }
0xbe: {  	v5 =	vor.u32 v0, v5;
	v1 =	vsel vm7, v4, v1;
	v3 =	vor.u32 v47, v3  }
0xbf: {  	vm8 =	veq.f32 v1, v2;
	vm9 =	vlt.s32 v3, v5  }
0xc0: {  	s7 =	sadd.s32 s7, s3;
	vm10 =	vgt.f32 v1, v2;
	vm0 =	vmand vm8, vm9  }
0xc1: {  	s14 =	simm.s32 $0x800;
	s12 =	simm.s32 $0x80;
	s13 =	simm.s32 $0x200;
	[tilespmem:s29+$0x30] =	vst v4;
	vm0 =	vmor vm10, vm0  }
0xc2: {  	[hbm4b:s7+s12] =	stream.strided.scatter [tilespmem:s14], [sflag:$0x1], $0x400, s13, s12, $0x38;
	v1 =	vsel vm0, v1, v2;
	[tilespmem:$0x12A0] =	vst v63  }
0xc3: {  	s15 =	sshll.u32 s1, $0x4;
	v2 =	vsel vm0, v3, v5;
	[tilespmem:$0x1000] =	vst v1  }
0xc4: {  	s17 =	simm.s32 $0x1000;
	s18 =	simm.s32 $0x3;
	s16 =	sadd.s32 s15, s5;
	[tilespmem:$0x1080] =	vst v2  }
0xc5: {  	[spmem:s16] =	stream.linear.scatter [tilespmem:s17], [sflag:$0x3], $0x10, $0x38;
	[tilespmem:$0x12A0] =	vst v63  }
0xc6: {  	_ =	swait.ge [sflag:s18], $0x10  }
0xc7: {  	[sflag:s18] =	ssyncset.done $0x0  }
0xc8: {  	s19 =	simm.s32 $0x1080;
	s7 =	sadd.s32 s15, s4;
	[sflag:s18] =	ssyncadd.s32 $0xFFFFFFF0  }
0xc9: {  	[spmem:s7] =	stream.linear.scatter [tilespmem:s19], [sflag:$0x3], $0x10, $0x38;
	[tilespmem:$0x12A0] =	vst v63  }
0xca: {  	_ =	swait.ge [sflag:s18], $0x10  }
0xcb: {  	[sflag:s18] =	ssyncset.done $0x0  }
0xcc: {  	s6 =	sshll.u32 s6, $0x6;
	[sflag:s18] =	ssyncadd.s32 $0xFFFFFFF0  }
0xcd: {  	s21 =	simm.s32 $0x1100;
	s20 =	sadd.s32 s6, s5;
	[bflag:$0x0] =	sbarrier.arrive $0xFFFF  }
0xce: {  	[tilespmem:s21], [sflag:$0x3] =	stream.linear.gather [spmem:s20], $0x40, $0x38;
	[tilespmem:$0x12A0] =	vst v63  }
0xcf: {  	_ =	swait.ge [sflag:s18], $0x40  }
0xd0: {  	[sflag:s18] =	ssyncset.done $0x0  }
0xd1: {  	s23 =	simm.s32 $0x1180;
	s22 =	sadd.s32 s6, s4;
	[sflag:s18] =	ssyncadd.s32 $0xFFFFFFC0  }
0xd2: {  	[tilespmem:s23], [sflag:$0x3] =	stream.linear.gather [spmem:s22], $0x40, $0x38;
	[tilespmem:$0x12A0] =	vst v63  }
0xd3: {  	_ =	swait.ge [sflag:s18], $0x40  }
0xd4: {  	[sflag:s18] =	ssyncset.done $0x0  }
0xd5: {  	[sflag:s18] =	ssyncadd.s32 $0xFFFFFFC0  }
0xd6: {  	v1 =	vld [tilespmem:$0x1100]  }
0xd7: {  	v2 =	vld [tilespmem:$0x1180]  }
0xd8: {  	v3 =	vld [tilespmem:$0x1110]  }
0xd9: {  	v48 =	vld [tilespmem:$0x1190];
	_ =	sdelay $0x2  }
0xda: {  	v49 =	vld [tilespmem:$0x1120]  }
0xdb: {  	v50 =	vld [tilespmem:$0x11A0]  }
0xdc: {  	vm11 =	veq.f32 v3, v1;
	vm12 =	vlt.s32 v48, v2  }
0xdd: {  	vm13 =	vgt.f32 v3, v1;
	vm0 =	vmand vm11, vm12  }
0xde: {  	v51 =	vld [tilespmem:$0x11B0];
	vm0 =	vmor vm13, vm0  }
0xdf: {  	v1 =	vsel vm0, v3, v1;
	v2 =	vsel vm0, v48, v2;
	v3 =	vld [tilespmem:$0x1130]  }
0xe0: {  	vm14 =	veq.f32 v49, v1;
	vm15 =	vlt.s32 v50, v2  }
0xe1: {  	vm4 =	vgt.f32 v49, v1;
	vm0 =	vmand vm14, vm15  }
0xe2: {  	v52 =	vimm.s32 $0xFEDCBA98;
	v53 =	vimm.s32 $0x76543210;
	vm0 =	vmor vm4, vm0  }
0xe3: {  	v5 =	vunpack.c.l.s4.s8 v52;
	v1 =	vsel vm0, v49, v1;
	v2 =	vsel vm0, v50, v2  }
0xe4: {  	v6 =	vunpack.c.l.s4.s8 v53;
	vm5 =	veq.f32 v3, v1;
	vm6 =	vlt.s32 v51, v2  }
0xe5: {  	v5 =	vunpack.c.0.s8.s32 v5;
	vm7 =	vgt.f32 v3, v1;
	vm0 =	vmand vm5, vm6  }
0xe6: {  	v6 =	vunpack.c.0.s8.s32 v6;
	vm0 =	vmor vm7, vm0  }
0xe7: {  	v1 =	vsel vm0, v3, v1;
	v3 =	vand.u32 $0xF, v5  }
0xe8: {  	v54 =	vimm.s32 $0xBA98FEDC;
	v55 =	vimm.s32 $0x32107654;
	v3 =	vcombine.low v3, v6  }
0xe9: {  	v56 =	vunpack.c.l.s4.s8 v54;
	v57 =	vunpack.c.l.s4.s8 v55;
	v2 =	vsel vm0, v51, v2  }
0xea: {  	v58 =	vperm.xlane v1, v3;
	v3 =	vperm.xlane v2, v3  }
0xeb: {  	v4 =	vunpack.c.0.s8.s32 v56;
	v5 =	vunpack.c.0.s8.s32 v57  }
0xec: {  	vm8 =	veq.f32 v58, v1;
	vm9 =	vlt.s32 v3, v2  }
0xed: {  	v4 =	vcombine.low v5, v4;
	vm10 =	vgt.f32 v58, v1;
	vm0 =	vmand vm8, vm9  }
0xee: {  	v59 =	vimm.s32 $0xDCFE98BA;
	v60 =	vimm.s32 $0x54761032;
	vm0 =	vmor vm10, vm0  }
0xef: {  	v4 =	vand.u32 $0xF, v4;
	v1 =	vsel vm0, v58, v1;
	v2 =	vsel vm0, v3, v2  }
0xf0: {  	v6 =	vunpack.c.l.s4.s8 v60;
	v3 =	vperm.xlane v1, v4;
	v4 =	vperm.xlane v2, v4  }
0xf1: {  	v5 =	vunpack.c.l.s4.s8 v59  }
0xf2: {  	v6 =	vunpack.c.0.s8.s32 v6;
	vm12 =	veq.f32 v3, v1;
	vm13 =	vlt.s32 v4, v2  }
0xf3: {  	v5 =	vunpack.c.0.s8.s32 v5;
	vm11 =	vgt.f32 v3, v1;
	vm1 =	vmand vm12, vm13  }
0xf4: {  	vm0 =	vmor vm11, vm1  }
0xf5: {  	v1 =	vsel vm0, v3, v1;
	v3 =	vcombine.low v6, v5  }
0xf6: {  	v61 =	vimm.s32 $0xEFCDAB89;
	v62 =	vimm.s32 $0x67452301;
	v2 =	vsel vm0, v4, v2  }
0xf7: {  	v4 =	vunpack.c.l.s4.s8 v61;
	v5 =	vunpack.c.l.s4.s8 v62;
	v3 =	vand.u32 $0xF, v3  }
0xf8: {  	v63 =	vperm.xlane v1, v3;
	v3 =	vperm.xlane v2, v3  }
0xf9: {  	v4 =	vunpack.c.0.s8.s32 v4;
	v5 =	vunpack.c.0.s8.s32 v5  }
0xfa: {  	vm14 =	veq.f32 v63, v1;
	vm15 =	vlt.s32 v3, v2  }
0xfb: {  	v4 =	vcombine.low v5, v4;
	vm4 =	vgt.f32 v63, v1;
	vm0 =	vmand vm14, vm15  }
0xfc: {  	vm0 =	vmor vm4, vm0  }
0xfd: {  	v1 =	vsel vm0, v63, v1;
	v2 =	vsel vm0, v3, v2;
	v3 =	vand.u32 $0xF, v4  }
0xfe: {  	v4 =	vperm.xlane v1, v3;
	v3 =	vperm.xlane v2, v3;
	_ =	sdelay $0x1  }
0xff: {  	vm5 =	veq.f32 v4, v1;
	vm6 =	vlt.s32 v3, v2  }
0x100: {  	vm7 =	vgt.f32 v4, v1;
	vm0 =	vmand vm5, vm6  }
0x101: {  	vm0 =	vmor vm7, vm0  }
0x102: {  	v1 =	vsel vm0, v3, v2  }
0x103: {  	[tilespmem:$0x1200] =	vst v1  }
0x104: {  	v2 =	vld [tilespmem:$0x1200];
	_ =	sdelay $0x1  }
0x105: {  	s4 =	sor.u32 $0x70, s8  }
0x106: {  	s24 =	sadd.s32 $0xFFFFFF90, s4  }
0x107: {  	v3 =	vor.u32 s24, v0  }
0x108: {  	v1 =	vimm.s32 $0x0;
	vm8 =	veq.s32 v3, v2  }
0x109: {  	s5 =	simm.s32 $0xC40;
	v2 =	vsel vm8, $0x1, v1  }
0x10a: {  	[tilespmem:s5+$0xFFFFFFC0] =	vst v2  }
0x10b: {  	v2 =	vld [tilespmem:$0x1200];
	_ =	sdelay $0x2  }
0x10c: {  	s25 =	sadd.s32 $0xFFFFFFA0, s4  }
0x10d: {  	v3 =	vor.u32 s25, v0  }
0x10e: {  	vm9 =	veq.s32 v3, v2  }
0x10f: {  	v2 =	vsel vm9, $0x1, v1  }
0x110: {  	[tilespmem:s5+$0xFFFFFFD0] =	vst v2  }
0x111: {  	v2 =	vld [tilespmem:$0x1200];
	_ =	sdelay $0x2  }
0x112: {  	s26 =	sadd.s32 $0xFFFFFFB0, s4  }
0x113: {  	v3 =	vor.u32 s26, v0  }
0x114: {  	vm10 =	veq.s32 v3, v2  }
0x115: {  	v2 =	vsel vm10, $0x1, v1  }
0x116: {  	[tilespmem:s5+$0xFFFFFFE0] =	vst v2  }
0x117: {  	v2 =	vld [tilespmem:$0x1200];
	_ =	sdelay $0x2  }
0x118: {  	s28 =	sadd.s32 $0xFFFFFFC0, s4  }
0x119: {  	v3 =	vor.u32 s28, v0  }
0x11a: {  	vm11 =	veq.s32 v3, v2  }
0x11b: {  	v2 =	vsel vm11, $0x1, v1  }
0x11c: {  	[tilespmem:s5+$0xFFFFFFF0] =	vst v2  }
0x11d: {  	v2 =	vld [tilespmem:$0x1200];
	_ =	sdelay $0x2  }
0x11e: {  	s29 =	sadd.s32 $0xFFFFFFD0, s4  }
0x11f: {  	v3 =	vor.u32 s29, v0  }
0x120: {  	vm12 =	veq.s32 v3, v2  }
0x121: {  	v2 =	vsel vm12, $0x1, v1  }
0x122: {  	[tilespmem:s5+$0x0] =	vst v2  }
0x123: {  	v2 =	vld [tilespmem:$0x1200];
	_ =	sdelay $0x2  }
0x124: {  	s30 =	sadd.s32 $0xFFFFFFE0, s4  }
0x125: {  	v3 =	vor.u32 s30, v0  }
0x126: {  	vm13 =	veq.s32 v3, v2  }
0x127: {  	v2 =	vsel vm13, $0x1, v1  }
0x128: {  	[tilespmem:s5+$0x10] =	vst v2  }
0x129: {  	v2 =	vld [tilespmem:$0x1200];
	_ =	sdelay $0x2  }
0x12a: {  	s31 =	sadd.s32 $0xFFFFFFF0, s4  }
0x12b: {  	v3 =	vor.u32 s31, v0  }
0x12c: {  	vm14 =	veq.s32 v3, v2  }
0x12d: {  	v2 =	vsel vm14, $0x1, v1  }
0x12e: {  	[tilespmem:s5+$0x20] =	vst v2  }
0x12f: {  	v2 =	vld [tilespmem:$0x1200];
	_ =	sdelay $0x3  }
0x130: {  	v3 =	vor.u32 s4, v0  }
0x131: {  	vm15 =	veq.s32 v3, v2  }
0x132: {  	v2 =	vsel vm15, $0x1, v1  }
0x133: {  	s6 =	simm.s32 $0x0;
	[tilespmem:s5+$0x30] =	vst v2  }
.LBB2_3:
0x134: {  	v2 =	vld [tilespmem:$0x1200];
	s6 =	sadd.s32 $0x8, s6  }
0x135: {  	p0 =	slt.u32 s6, $0x38  }
0x136: {  	s4 =	sadd.s32 $0x80, s4  }
0x137: {  	s7 =	sadd.s32 $0xFFFFFF90, s4  }
0x138: {  	v3 =	vor.u32 s7, v0  }
0x139: {  	vm0 =	veq.s32 v3, v2  }
0x13a: {  	s5 =	sadd.s32 $0x80, s5;
	v2 =	vsel vm0, $0x1, v1  }
0x13b: {  	[tilespmem:s5+$0xFFFFFFC0] =	vst v2  }
0x13c: {  	v2 =	vld [tilespmem:$0x1200];
	_ =	sdelay $0x2  }
0x13d: {  	s7 =	sadd.s32 $0xFFFFFFA0, s4  }
0x13e: {  	v3 =	vor.u32 s7, v0  }
0x13f: {  	vm0 =	veq.s32 v3, v2  }
0x140: {  	v2 =	vsel vm0, $0x1, v1  }
0x141: {  	[tilespmem:s5+$0xFFFFFFD0] =	vst v2  }
0x142: {  	v2 =	vld [tilespmem:$0x1200];
	_ =	sdelay $0x2  }
0x143: {  	s7 =	sadd.s32 $0xFFFFFFB0, s4  }
0x144: {  	v3 =	vor.u32 s7, v0  }
0x145: {  	vm0 =	veq.s32 v3, v2  }
0x146: {  	v2 =	vsel vm0, $0x1, v1  }
0x147: {  	[tilespmem:s5+$0xFFFFFFE0] =	vst v2  }
0x148: {  	v2 =	vld [tilespmem:$0x1200];
	_ =	sdelay $0x2  }
0x149: {  	s7 =	sadd.s32 $0xFFFFFFC0, s4  }
0x14a: {  	v3 =	vor.u32 s7, v0  }
0x14b: {  	vm0 =	veq.s32 v3, v2  }
0x14c: {  	v2 =	vsel vm0, $0x1, v1  }
0x14d: {  	[tilespmem:s5+$0xFFFFFFF0] =	vst v2  }
0x14e: {  	v2 =	vld [tilespmem:$0x1200];
	_ =	sdelay $0x2  }
0x14f: {  	s7 =	sadd.s32 $0xFFFFFFD0, s4  }
0x150: {  	v3 =	vor.u32 s7, v0  }
0x151: {  	vm0 =	veq.s32 v3, v2  }
0x152: {  	v2 =	vsel vm0, $0x1, v1  }
0x153: {  	[tilespmem:s5+$0x0] =	vst v2  }
0x154: {  	v2 =	vld [tilespmem:$0x1200];
	_ =	sdelay $0x2  }
0x155: {  	s7 =	sadd.s32 $0xFFFFFFE0, s4  }
0x156: {  	v3 =	vor.u32 s7, v0  }
0x157: {  	vm0 =	veq.s32 v3, v2  }
0x158: {  	v2 =	vsel vm0, $0x1, v1  }
0x159: {  	[tilespmem:s5+$0x10] =	vst v2  }
0x15a: {  	v2 =	vld [tilespmem:$0x1200];
	_ =	sdelay $0x2  }
0x15b: {  	s7 =	sadd.s32 $0xFFFFFFF0, s4  }
0x15c: {  	v3 =	vor.u32 s7, v0  }
0x15d: {  	vm0 =	veq.s32 v3, v2  }
0x15e: {  	v2 =	vsel vm0, $0x1, v1  }
0x15f: {  	[tilespmem:s5+$0x20] =	vst v2  }
0x160: {  	v2 =	vld [tilespmem:$0x1200];
	_ =	sdelay $0x2  }
.Ltmp1:
0x161: {  	(pc) =	sbr.rel @p0 .LBB2_3-.Ltmp1, $4  }
0x162: {  	v3 =	vor.u32 s4, v0  }
0x163: {  	vm0 =	veq.s32 v3, v2  }
0x164: {  	v2 =	vsel vm0, $0x1, v1  }
0x165: {  	[tilespmem:s5+$0x30] =	vst v2  }
0x166: {  	s2 =	sadd.s32 s2, s3;
	s29 =	simm.s32 $0x80  }
0x167: {  	s4 =	simm.s32 $0x200;
	s5 =	simm.s32 $0xC00;
	s30 =	simm.s32 $0x1  }
0x168: {  	[hbm4b:s2+s29] =	stream.strided.scatter [tilespmem:s5], [sflag:$0x2], $0x400, s4, s29, $0x38;
	[tilespmem:$0x12A0] =	vst v63  }
0x169: {  	_ =	swait.ge [sflag:s30], $0x400  }
0x16a: {  	[sflag:s30] =	ssyncset.done $0x0  }
0x16b: {  	s31 =	simm.s32 $0x2;
	[sflag:s30] =	ssyncadd.s32 $0xFFFFFC00  }
0x16c: {  	_ =	swait.ge [sflag:s31], $0x400  }
0x16d: {  	[sflag:s31] =	ssyncset.done $0x0  }
0x16e: {  	[sflag:s31] =	ssyncadd.s32 $0xFFFFFC00  }
0x16f: {  	_ =	sfence.sel $0x180000  }
0x170: {  	[bflag:$0x0] =	sbarrier.arrive $0xFFFF  }
0x171: {  	p0 =	sne.s32 s1, $0x0;
	_ =	strace $0x90000047  }
0x172: {  	s0 =	sadd.s32 @!p0 $0x100000, s0;
	[bflag:$0x2] =	sbarrier.arrive $0xFFFF  }
0x173: {  	[sflag:s0] =	ssyncadd.tile.s32 @!p0 $0x1;
	_ =	shalt  }
.Lfunc_end2:
_tile_overlayer_lowered:
.L_overlay_start_2:
0x174: {  	(tag) =	ssettag $0x2  }
0x175: {  	s0 =	rddreg [dreg:$0x0];
	s2 =	stileid.u32  }
0x176: {  	s1 =	rddreg [dreg:$0x1];
	p0 =	sne.s32 s2, $0x0  }
0x177: {  	s3 =	rddreg [dreg:$0x2];
	[bflag:$0x3] =	sbarrier.arrive $0xFFFF;
	s2 =	simm.s32 @!p0 $0x1C03  }
0x178: {  	[timem:s3], [sflag:s2] =	dma.local @!p0 [hbm:s0], s1  }
0x179: {  	s0 =	simm.s32 @!p0 $0x3  }
0x17a: {  	_ =	swait.ge @!p0 [sflag:s0], s1  }
0x17b: {  	s1 =	ssub.s32 @!p0 $0x0, s1;
	[sflag:s0] =	ssyncset.done @!p0 $0x0  }
0x17c: {  	[sflag:s0] =	ssyncadd.s32 @!p0 s1  }
0x17d: {  	[bflag:$0x3] =	sbarrier.arrive $0xFFFF  }
0x17e: {  	_ =	shalt  }

</sc_bundles>
